<compile_context>
chip_gen: v7x
topology: tpu7x:2x2x1
jax: 0.10.2.dev20260603
libtpu: 0.0.44.dev20260713+nightly
codegen_flags: <defaults>
</compile_context>

<pallas_src>
import functools

import jax
import jax.numpy as jnp
from jax import lax
from jax.experimental import pallas as pl
from jax.experimental.pallas import tpu as pltpu
from jax.experimental.pallas import tpu_sc as plsc

NONEDGE = -1.0e4

_SC_NC = 2
_SC_NS = 16
_SC_NW = _SC_NC * _SC_NS
_SC_L = 16


def _sc_gather(table, idx_bt):
    bb, tt = idx_bt.shape
    n = bb * tt
    per = n // _SC_NW
    chunks_per_row = tt // per
    assert per * _SC_NW == n and per % _SC_L == 0 and per % 8 == 0

    mesh = plsc.VectorSubcoreMesh(core_axis_name="c", subcore_axis_name="s")

    @functools.partial(
        pl.kernel,
        out_type=jax.ShapeDtypeStruct((bb, tt), jnp.float32),
        mesh=mesh,
        compiler_params=pltpu.CompilerParams(needs_layout_passes=False),
        scratch_types=[
            pltpu.VMEM((per,), jnp.int32),
            pltpu.VMEM((per,), jnp.float32),
            pltpu.SemaphoreType.DMA,
        ],
    )
    def gather_kernel(table_hbm, idx_hbm, out_hbm, idx_v, val_v, sem):
        wid = lax.axis_index("s") * _SC_NC + lax.axis_index("c")
        b = wid // chunks_per_row
        c0 = (wid % chunks_per_row) * per
        pltpu.sync_copy(idx_hbm.at[b, pl.ds(c0, per)], idx_v)
        pltpu.async_copy(table_hbm.at[idx_v], val_v, sem).wait()
        pltpu.sync_copy(val_v, out_hbm.at[b, pl.ds(c0, per)])

    return gather_kernel(table, idx_bt)


def _lse_list(terms):
    m = terms[0]
    for t in terms[1:]:
        m = jnp.maximum(m, t)
    s = jnp.exp(terms[0] - m)
    for t in terms[1:]:
        s = s + jnp.exp(t - m)
    return m + jnp.log(s)


def _fused_body(lw_ref, fe_ref, g_ref, fet_ref, gt_ref,
                elp_ref, ii_ref, mask_ref, pos_ref, type_ref, ent_ref,
                attn_ref, eye_ref,
                *, nv, mv, lv, rbs):
    b = pl.program_id(0)
    r = pl.program_id(1)

    @pl.when((b == 0) & (r == 0))
    def _prep():
        Bv, T = fe_ref.shape
        ML, BN = fet_ref.shape
        io_i = lax.broadcasted_iota(jnp.int32, (rbs, rbs), 0)
        io_j = lax.broadcasted_iota(jnp.int32, (rbs, rbs), 1)
        eye_ref[...] = jnp.where(io_i == io_j, 0.0, 1.0)

        lw = lw_ref[...]
        mx = jnp.max(lw)
        c = mx + jnp.log(jnp.sum(jnp.exp(lw - mx)))

        fe = fe_ref[...]
        g = g_ref[...]
        col = lax.broadcasted_iota(jnp.int32, (Bv, T), 1)
        n_io = col // ML
        r96 = col % ML
        m_io = r96 // lv
        l_io = r96 % lv
        struct = (l_io + m_io + 1) <= lv
        valid = (fe != 0) & struct
        elp_ref[...] = jnp.where(valid, g - c, NONEDGE)
        ii_ref[...] = jnp.where(valid, fe, 0)
        maskf = valid.astype(jnp.float32)
        mask_ref[...] = valid.astype(jnp.int32)
        pos_ref[...] = n_io * lv + l_io
        type_ref[...] = n_io

        fet = fet_ref[...]
        gt = gt_ref[...]
        rt = lax.broadcasted_iota(jnp.int32, (ML, BN), 0)
        struct_t = ((rt % lv) + (rt // lv) + 1) <= lv
        valid_t = (fet != 0) & struct_t
        elp_t = jnp.where(valid_t, gt - c, NONEDGE)

        def edge(m, l):
            i = m * lv + l
            return elp_t[i:i + 1, :]

        zero = jnp.zeros((1, BN), dtype=jnp.float32)
        alphas = [zero]
        for t in range(1, lv + 1):
            terms = [alphas[t - m - 1] + edge(m, t - m - 1)
                     for m in range(min(mv, t))]
            alphas.append(_lse_list(terms))
        betas = [None] * (lv + 1)
        betas[lv] = zero
        for t in range(lv - 1, -1, -1):
            terms = [edge(m, t) + betas[t + m + 1]
                     for m in range(min(mv, lv - t))]
            betas[t] = _lse_list(terms)
        logZ = alphas[lv]
        escore = zero
        for m in range(mv):
            for l in range(lv):
                if l + m + 1 <= lv:
                    pot = edge(m, l)
                    escore = escore + jnp.exp(
                        alphas[l] + pot + betas[l + m + 1] - logZ) * pot
        ent = logZ - escore
        len_sum = jnp.sum(jnp.where(m_io == 0, maskf, 0.0))
        ent_ref[...] = (jnp.sum(ent) / len_sum).reshape(1, 1)

    rowc = elp_ref[pl.ds(b, 1), :]
    mrow = mask_ref[pl.ds(b, 1), pl.ds(r * rbs, rbs)]
    mi = jnp.transpose(mrow)
    attn_ref[0, :, :] = jnp.where(mi != 0, rowc, NONEDGE)
    sub = attn_ref[0, :, pl.ds(r * rbs, rbs)]
    attn_ref[0, :, pl.ds(r * rbs, rbs)] = sub * eye_ref[...]


def kernel(log_weights, forward_encodings):
    Bv, Nv, Mv, Lv = forward_encodings.shape
    T = Nv * Mv * Lv
    V = log_weights.shape[0]

    fe_bt = forward_encodings.reshape(Bv, T)
    g_bt = _sc_gather(log_weights, fe_bt)
    lw2 = log_weights.reshape(V // 128, 128)
    BN, ML = Bv * Nv, Mv * Lv
    fe_t = fe_bt.reshape(BN, ML).T
    g_t = g_bt.reshape(BN, ML).T

    rbs = 768
    nb = T // rbs
    full = lambda b, r: (0, 0)
    elp2, ii2, mask2, pos2, type2, ent11, attn = pl.pallas_call(
        functools.partial(_fused_body, nv=Nv, mv=Mv, lv=Lv, rbs=rbs),
        grid=(Bv, nb),
        in_specs=[
            pl.BlockSpec((V // 128, 128), full),
            pl.BlockSpec((Bv, T), full),
            pl.BlockSpec((Bv, T), full),
            pl.BlockSpec((ML, BN), full),
            pl.BlockSpec((ML, BN), full),
        ],
        out_specs=(
            pl.BlockSpec((Bv, T), full),
            pl.BlockSpec((Bv, T), full),
            pl.BlockSpec((Bv, T), full),
            pl.BlockSpec((Bv, T), full),
            pl.BlockSpec((Bv, T), full),
            pl.BlockSpec((1, 1), full),
            pl.BlockSpec((1, rbs, T), lambda b, r: (b, r, 0)),
        ),
        out_shape=(
            jax.ShapeDtypeStruct((Bv, T), jnp.float32),
            jax.ShapeDtypeStruct((Bv, T), jnp.int32),
            jax.ShapeDtypeStruct((Bv, T), jnp.int32),
            jax.ShapeDtypeStruct((Bv, T), jnp.int32),
            jax.ShapeDtypeStruct((Bv, T), jnp.int32),
            jax.ShapeDtypeStruct((1, 1), jnp.float32),
            jax.ShapeDtypeStruct((Bv, T, T), jnp.float32),
        ),
        scratch_shapes=[pltpu.VMEM((rbs, rbs), jnp.float32)],
        interpret=False,
    )(lw2, fe_bt, g_bt, fe_t, g_t)

    ent_scalar = ent11[0, 0]
    elp4 = elp2.reshape(Bv, Nv, Mv, Lv)
    return (ii2, mask2, pos2, type2, attn, ent_scalar, elp4)

# --- scband reference (transcript-rebuilt; emitter-appended) ---
"""Pipeline reference for scband-lattice-tokenizer-64321430225437 (READ-ONLY COPY).

The authoritative reference and input builder live on the scoring server;
editing this copy changes nothing except your own understanding.
"""

import jax, jax.numpy as jnp
import numpy as np

NONEDGE_LOGPOT = -1.0e4
B, N, M, L = 8, 16, 12, 8
V = 32000

def setup_inputs(seed: int = 0) -> dict:
    key = jax.random.key(seed)
    k1, k2 = jax.random.split(key)
    forward_encodings = jax.random.randint(k1, (B, N, M, L), 0, V, dtype=jnp.int32)
    log_weights = jax.random.normal(k2, (V,), dtype=jnp.float32)
    return {"log_weights": log_weights, "forward_encodings": forward_encodings}

def _lattice_entropy(elp):
    # elp[b, n, m, l]: log-potential of edge starting at char position l with unit length m+1
    Bv, Nv, Mv, Lv = elp.shape
    lse = jax.scipy.special.logsumexp
    alphas = [jnp.zeros((Bv, Nv), dtype=elp.dtype)]
    for t in range(1, Lv + 1):
        terms = jnp.stack([alphas[t - m - 1] + elp[:, :, m, t - m - 1] for m in range(min(Mv, t))], axis=0)
        alphas.append(lse(terms, axis=0))
    betas = [None] * (Lv + 1)
    betas[Lv] = jnp.zeros((Bv, Nv), dtype=elp.dtype)
    for t in range(Lv - 1, -1, -1):
        terms = jnp.stack([elp[:, :, m, t] + betas[t + m + 1] for m in range(min(Mv, Lv - t))], axis=0)
        betas[t] = lse(terms, axis=0)
    logZ = alphas[Lv]
    escore = jnp.zeros_like(logZ)
    for m in range(Mv):
        for l in range(Lv):
            if l + m + 1 <= Lv:
                pot = elp[:, :, m, l]
                marg = jnp.exp(alphas[l] + pot + betas[l + m + 1] - logZ)
                escore = escore + marg * pot
    return logZ - escore

def reference(log_weights, forward_encodings):
    temperature = 1.0
    pad_token_id = 0
    Bv, Nv, Mv, Lv = forward_encodings.shape
    logp = jax.nn.log_softmax(log_weights / temperature)
    m_idx = jnp.arange(Mv)[:, None]
    l_idx = jnp.arange(Lv)[None, :]
    struct = (l_idx + m_idx + 1) <= Lv
    valid = (forward_encodings != pad_token_id) & struct[None, None, :, :]
    # edge log potentials via embedding gather into unigram LM log-probs
    elp = jnp.where(valid, jnp.take(logp, forward_encodings, axis=0), NONEDGE_LOGPOT)
    input_ids = jnp.where(valid, forward_encodings, pad_token_id).reshape(Bv, -1)
    attention_mask = valid.reshape(Bv, -1)
    pos = jnp.broadcast_to(jnp.arange(Nv)[:, None, None] * Lv + jnp.arange(Lv)[None, None, :], (Nv, Mv, Lv))
    position_ids = jnp.broadcast_to(pos[None], (Bv, Nv, Mv, Lv)).reshape(Bv, -1)
    type_ids = jnp.broadcast_to(jnp.arange(Nv)[None, :, None, None], (Bv, Nv, Mv, Lv)).reshape(Bv, -1)
    # attention bias: bias[b, i, j] = edge_log_potential_j where both i, j valid, else NONEDGE; diag = 0
    elp_flat = elp.reshape(Bv, -1)
    attn = jnp.where(attention_mask[:, :, None] & attention_mask[:, None, :], elp_flat[:, None, :], NONEDGE_LOGPOT)
    T = Nv * Mv * Lv
    attn = jnp.where(jnp.eye(T, dtype=bool)[None], 0.0, attn)
    # lattice entropy via forward-backward DP, normalized by total chars
    ent = _lattice_entropy(elp)
    lengths = valid[:, :, 0, :].sum(axis=(1, 2))
    ent_scalar = ent.sum() / lengths.sum()
    return (input_ids, attention_mask.astype(jnp.int32), position_ids, type_ids, attn, ent_scalar, elp)

if __name__ == "__main__":
    import jax
    _d = setup_inputs()
    print(jax.jit(kernel)(*tuple(_d.values())))

</pallas_src>

<mosaic_0001>
#map = affine_map<(d0, d1) -> (0)>
#map1 = affine_map<(d0, d1) -> (0, 0)>
module attributes {stable_mosaic.version = 14 : i64} {
  func.func @gather_kernel(%arg0: i32, %arg1: i32, %arg2: memref<32000xf32, #tpu.memory_space<hbm>>, %arg3: memref<8x1536xi32, #tpu.memory_space<hbm>>, %arg4: memref<8x1536xf32, #tpu.memory_space<hbm>>, %arg5: memref<384xi32, #tpu.memory_space<vmem>>, %arg6: memref<384xf32, #tpu.memory_space<vmem>>, %arg7: memref<!tpu.dma_semaphore, #tpu.memory_space<semaphore_mem>>) attributes {dimension_semantics = [#tpu.dimension_semantics<core_parallel>, #tpu.dimension_semantics<subcore_parallel>], iteration_bounds = array<i64: 2, 16>, scalar_prefetch = 0 : i64, scratch_operands = 3 : i64, tpu.core_type = #tpu.core_type<sc_vector_subcore>, window_params = [{transform_indices = #map}, {transform_indices = #map1}, {transform_indices = #map1}]} {
    %mul3A = arith.constant 2 : i32
    %mul3A_0 = arith.muli %arg1, %mul3A : i32
    %add3A = arith.addi %mul3A_0, %arg0 : i32
    %jit3A = arith.constant 4 : i32
    %div3A = arith.divsi %add3A, %jit3A : i32
    %sign3A = arith.constant 0 : i32
    %sign3A_1 = arith.cmpi sgt, %add3A, %sign3A : i32
    %sign3A_2 = arith.extui %sign3A_1 : i1 to i32
    %sign3A_3 = arith.constant 0 : i32
    %sign3A_4 = arith.cmpi slt, %add3A, %sign3A_3 : i32
    %sign3A_5 = arith.extui %sign3A_4 : i1 to i32
    %sign3A_6 = arith.subi %sign3A_2, %sign3A_5 : i32
    %sign3A_7 = arith.constant 0 : i32
    %sign3A_8 = arith.cmpi sgt, %jit3A, %sign3A_7 : i32
    %sign3A_9 = arith.extui %sign3A_8 : i1 to i32
    %sign3A_10 = arith.constant 0 : i32
    %sign3A_11 = arith.cmpi slt, %jit3A, %sign3A_10 : i32
    %sign3A_12 = arith.extui %sign3A_11 : i1 to i32
    %sign3A_13 = arith.subi %sign3A_9, %sign3A_12 : i32
    %ne3A = arith.cmpi ne, %sign3A_6, %sign3A_13 : i32
    %rem3A = arith.remsi %add3A, %jit3A : i32
    %ne3A_14 = arith.constant 0 : i32
    %ne3A_15 = arith.cmpi ne, %rem3A, %ne3A_14 : i32
    %and3A = arith.andi %ne3A, %ne3A_15 : i1
    %sub3A = arith.constant 1 : i32
    %sub3A_16 = arith.subi %div3A, %sub3A : i32
    %select_n3A = arith.select %and3A, %sub3A_16, %div3A : i32
    %jit3A_17 = arith.constant 4 : i32
    %eq3A = arith.constant 0 : i32
    %eq3A_18 = arith.cmpi eq, %jit3A_17, %eq3A : i32
    %jit3A_19 = arith.constant 1 : i32
    %select_n3A_20 = arith.select %eq3A_18, %jit3A_19, %jit3A_17 : i32
    %rem3A_21 = arith.remsi %add3A, %select_n3A_20 : i32
    %ne3A_22 = arith.constant 0 : i32
    %ne3A_23 = arith.cmpi ne, %rem3A_21, %ne3A_22 : i32
    %lt3A = arith.constant 0 : i32
    %lt3A_24 = arith.cmpi slt, %rem3A_21, %lt3A : i32
    %lt3A_25 = arith.constant 0 : i32
    %lt3A_26 = arith.cmpi slt, %select_n3A_20, %lt3A_25 : i32
    %ne3A_27 = arith.xori %lt3A_24, %lt3A_26 : i1
    %and3A_28 = arith.andi %ne3A_27, %ne3A_23 : i1
    %add3A_29 = arith.addi %rem3A_21, %select_n3A_20 : i32
    %select_n3A_30 = arith.select %and3A_28, %add3A_29, %rem3A_21 : i32
    %mul3A_31 = arith.constant 384 : i32
    %mul3A_32 = arith.muli %select_n3A_30, %mul3A_31 : i32
    "tpu.region"() ({
      %run_scoped3A = tpu.sem_alloc : memref<!tpu.dma_semaphore, #tpu.memory_space<semaphore_mem>>
      %dma_start3A_35 = tpu.memref_slice %arg3[%select_n3A, %mul3A_32] : memref<8x1536xi32, #tpu.memory_space<hbm>> -> memref<1x384xi32, #tpu.memory_space<hbm>>
      %dma_start3A_36 = tpu.memref_squeeze %dma_start3A_35 : memref<1x384xi32, #tpu.memory_space<hbm>> -> memref<384xi32, #tpu.memory_space<hbm>>
      %dma_start3A_37 = tpu.memref_slice %arg3[%select_n3A, %mul3A_32] : memref<8x1536xi32, #tpu.memory_space<hbm>> -> memref<1x384xi32, #tpu.memory_space<hbm>>
      %dma_start3A_38 = tpu.memref_squeeze %dma_start3A_37 : memref<1x384xi32, #tpu.memory_space<hbm>> -> memref<384xi32, #tpu.memory_space<hbm>>
      tpu.enqueue_dma source(%dma_start3A_38 : memref<384xi32, #tpu.memory_space<hbm>>) target(%arg5 : memref<384xi32, #tpu.memory_space<vmem>>) target_semaphore(%run_scoped3A : memref<!tpu.dma_semaphore, #tpu.memory_space<semaphore_mem>>)
      %dma_wait3A_39 = tpu.memref_slice %arg3[%select_n3A, %mul3A_32] : memref<8x1536xi32, #tpu.memory_space<hbm>> -> memref<1x384xi32, #tpu.memory_space<hbm>>
      %dma_wait3A_40 = tpu.memref_squeeze %dma_wait3A_39 : memref<1x384xi32, #tpu.memory_space<hbm>> -> memref<384xi32, #tpu.memory_space<hbm>>
      %dma_wait3A_41 = tpu.memref_slice %arg3[%select_n3A, %mul3A_32] : memref<8x1536xi32, #tpu.memory_space<hbm>> -> memref<1x384xi32, #tpu.memory_space<hbm>>
      %dma_wait3A_42 = tpu.memref_squeeze %dma_wait3A_41 : memref<1x384xi32, #tpu.memory_space<hbm>> -> memref<384xi32, #tpu.memory_space<hbm>>
      tpu.wait_dma2 semaphore(%run_scoped3A : memref<!tpu.dma_semaphore, #tpu.memory_space<semaphore_mem>>) src(%dma_wait3A_42 : memref<384xi32, #tpu.memory_space<hbm>>) dst(%arg5 : memref<384xi32, #tpu.memory_space<vmem>>)
      tpu.yield
    }) : () -> ()
    %dma_start3A = arith.constant 0 : i32
    %dma_start3A_33 = tpu.memref_slice %arg2[%dma_start3A] : memref<32000xf32, #tpu.memory_space<hbm>> -> memref<32000xf32, #tpu.memory_space<hbm>>
    tpu.enqueue_indirect_dma source(%dma_start3A_33 : memref<32000xf32, #tpu.memory_space<hbm>>) target(%arg6 : memref<384xf32, #tpu.memory_space<vmem>>) offsets(%arg5 : memref<384xi32, #tpu.memory_space<vmem>>) semaphore(%arg7 : memref<!tpu.dma_semaphore, #tpu.memory_space<semaphore_mem>>)
    %dma_wait3A = arith.constant 0 : i32
    %dma_wait3A_34 = tpu.memref_slice %arg2[%dma_wait3A] : memref<32000xf32, #tpu.memory_space<hbm>> -> memref<32000xf32, #tpu.memory_space<hbm>>
    tpu.wait_indirect_dma semaphore(%arg7 : memref<!tpu.dma_semaphore, #tpu.memory_space<semaphore_mem>>) src(%dma_wait3A_34 : memref<32000xf32, #tpu.memory_space<hbm>>) dst(%arg6 : memref<384xf32, #tpu.memory_space<vmem>>)
    "tpu.region"() ({
      %run_scoped3A = tpu.sem_alloc : memref<!tpu.dma_semaphore, #tpu.memory_space<semaphore_mem>>
      %dma_start3A_35 = tpu.memref_slice %arg4[%select_n3A, %mul3A_32] : memref<8x1536xf32, #tpu.memory_space<hbm>> -> memref<1x384xf32, #tpu.memory_space<hbm>>
      %dma_start3A_36 = tpu.memref_squeeze %dma_start3A_35 : memref<1x384xf32, #tpu.memory_space<hbm>> -> memref<384xf32, #tpu.memory_space<hbm>>
      %dma_start3A_37 = tpu.memref_slice %arg4[%select_n3A, %mul3A_32] : memref<8x1536xf32, #tpu.memory_space<hbm>> -> memref<1x384xf32, #tpu.memory_space<hbm>>
      %dma_start3A_38 = tpu.memref_squeeze %dma_start3A_37 : memref<1x384xf32, #tpu.memory_space<hbm>> -> memref<384xf32, #tpu.memory_space<hbm>>
      tpu.enqueue_dma source(%arg6 : memref<384xf32, #tpu.memory_space<vmem>>) target(%dma_start3A_38 : memref<384xf32, #tpu.memory_space<hbm>>) target_semaphore(%run_scoped3A : memref<!tpu.dma_semaphore, #tpu.memory_space<semaphore_mem>>)
      %dma_wait3A_39 = tpu.memref_slice %arg4[%select_n3A, %mul3A_32] : memref<8x1536xf32, #tpu.memory_space<hbm>> -> memref<1x384xf32, #tpu.memory_space<hbm>>
      %dma_wait3A_40 = tpu.memref_squeeze %dma_wait3A_39 : memref<1x384xf32, #tpu.memory_space<hbm>> -> memref<384xf32, #tpu.memory_space<hbm>>
      %dma_wait3A_41 = tpu.memref_slice %arg4[%select_n3A, %mul3A_32] : memref<8x1536xf32, #tpu.memory_space<hbm>> -> memref<1x384xf32, #tpu.memory_space<hbm>>
      %dma_wait3A_42 = tpu.memref_squeeze %dma_wait3A_41 : memref<1x384xf32, #tpu.memory_space<hbm>> -> memref<384xf32, #tpu.memory_space<hbm>>
      tpu.wait_dma2 semaphore(%run_scoped3A : memref<!tpu.dma_semaphore, #tpu.memory_space<semaphore_mem>>) src(%arg6 : memref<384xf32, #tpu.memory_space<vmem>>) dst(%dma_wait3A_42 : memref<384xf32, #tpu.memory_space<hbm>>)
      tpu.yield
    }) : () -> ()
    return
  }
}

module attributes {stable_mosaic.version = 14 : i64} {
  func.func @_fused_body(%arg0: i32, %arg1: i32, %arg2: memref<250x128xf32, #tpu.memory_space<vmem>>, %arg3: memref<8x1536xi32, #tpu.memory_space<vmem>>, %arg4: memref<8x1536xf32, #tpu.memory_space<vmem>>, %arg5: memref<96x128xi32, #tpu.memory_space<vmem>>, %arg6: memref<96x128xf32, #tpu.memory_space<vmem>>, %arg7: memref<8x1536xf32, #tpu.memory_space<vmem>>, %arg8: memref<8x1536xi32, #tpu.memory_space<vmem>>, %arg9: memref<8x1536xi32, #tpu.memory_space<vmem>>, %arg10: memref<8x1536xi32, #tpu.memory_space<vmem>>, %arg11: memref<8x1536xi32, #tpu.memory_space<vmem>>, %arg12: memref<1x1xf32, #tpu.memory_space<vmem>>, %arg13: memref<1x768x1536xf32, #tpu.memory_space<vmem>>, %arg14: memref<768x768xf32, #tpu.memory_space<vmem>>) attributes {dimension_semantics = [#tpu.dimension_semantics<arbitrary>, #tpu.dimension_semantics<arbitrary>], iteration_bounds = array<i64: 8, 2>, scalar_prefetch = 0 : i64, scratch_operands = 1 : i64, tpu.core_type = #tpu.core_type<tc>, window_params = [{pipeline_mode = #tpu.pipeline_mode<synchronous>, transform_indices = @transform_0, window_bounds = array<i64: 250, 128>}, {pipeline_mode = #tpu.pipeline_mode<synchronous>, transform_indices = @transform_1, window_bounds = array<i64: 8, 1536>}, {pipeline_mode = #tpu.pipeline_mode<synchronous>, transform_indices = @transform_2, window_bounds = array<i64: 8, 1536>}, {pipeline_mode = #tpu.pipeline_mode<synchronous>, transform_indices = @transform_3, window_bounds = array<i64: 96, 128>}, {pipeline_mode = #tpu.pipeline_mode<synchronous>, transform_indices = @transform_4, window_bounds = array<i64: 96, 128>}, {pipeline_mode = #tpu.pipeline_mode<synchronous>, transform_indices = @transform_5, window_bounds = array<i64: 8, 1536>}, {pipeline_mode = #tpu.pipeline_mode<synchronous>, transform_indices = @transform_6, window_bounds = array<i64: 8, 1536>}, {pipeline_mode = #tpu.pipeline_mode<synchronous>, transform_indices = @transform_7, window_bounds = array<i64: 8, 1536>}, {pipeline_mode = #tpu.pipeline_mode<synchronous>, transform_indices = @transform_8, window_bounds = array<i64: 8, 1536>}, {pipeline_mode = #tpu.pipeline_mode<synchronous>, transform_indices = @transform_9, window_bounds = array<i64: 8, 1536>}, {pipeline_mode = #tpu.pipeline_mode<synchronous>, transform_indices = @transform_10, window_bounds = array<i64: 1, 1>}, {transform_indices = @transform_11, window_bounds = array<i64: 1, 768, 1536>}]} {
    %eq3A = arith.constant 0 : i32
    %eq3A_0 = arith.cmpi eq, %arg0, %eq3A : i32
    %eq3A_1 = arith.constant 0 : i32
    %eq3A_2 = arith.cmpi eq, %arg1, %eq3A_1 : i32
    %and3A = arith.andi %eq3A_0, %eq3A_2 : i1
    %convert_element_type3A = arith.extui %and3A : i1 to i32
    %cond3A = arith.constant 0 : i32
    %cond3A_3 = arith.cmpi ne, %convert_element_type3A, %cond3A : i32
    scf.if %cond3A_3 {
      %iota3A = tpu.iota {dimensions = array<i32: 0>} : vector<768x768xi32>
      %iota3A_40 = tpu.iota {dimensions = array<i32: 1>} : vector<768x768xi32>
      %eq3A_41 = arith.cmpi eq, %iota3A, %iota3A_40 : vector<768x768xi32>
      %jit3A_42 = arith.constant 0.000000e+00 : f32
      %jit3A_43 = arith.constant 1.000000e+00 : f32
      %broadcast_in_dim3A_44 = vector.broadcast %jit3A_42 : f32 to vector<768x768xf32>
      %broadcast_in_dim3A_45 = vector.broadcast %jit3A_43 : f32 to vector<768x768xf32>
      %select_n3A_46 = arith.select %eq3A_41, %broadcast_in_dim3A_44, %broadcast_in_dim3A_45 : vector<768x768xi1>, vector<768x768xf32>
      %swap3A_47 = arith.constant 0 : index
      %swap3A_48 = arith.constant 0 : index
      %swap3A_49 = vector.load %arg14[%swap3A_47, %swap3A_48] : memref<768x768xf32, #tpu.memory_space<vmem>>, vector<768x768xf32>
      tpu.vector_store %arg14[%swap3A_47, %swap3A_48], %select_n3A_46 {strides = array<i32>} : memref<768x768xf32, #tpu.memory_space<vmem>>, vector<768x768xf32>,
      %get3A_50 = arith.constant 0 : index
      %get3A_51 = arith.constant 0 : index
      %get3A_52 = vector.load %arg2[%get3A_50, %get3A_51] : memref<250x128xf32, #tpu.memory_space<vmem>>, vector<250x128xf32>
      %reduce_max3A = vector.shape_cast %get3A_52 : vector<250x128xf32> to vector<1x250x128xf32>
      %reduce_max3A_53 = arith.constant dense<0xFF800000> : vector<1xf32>
      %reduce_max3A_54 = vector.multi_reduction <maximumf>, %reduce_max3A, %reduce_max3A_53 [1, 2] : vector<1x250x128xf32> to vector<1xf32>
      %reduce_max3A_55 = vector.shape_cast %reduce_max3A_54 : vector<1xf32> to vector<1x1x1xf32>
      %reduce_max3A_56 = vector.extract %reduce_max3A_55[0, 0, 0] : f32 from vector<1x1x1xf32>
      %sub3A = vector.broadcast %reduce_max3A_56 : f32 to vector<250x128xf32>
      %sub3A_57 = arith.subf %get3A_52, %sub3A : vector<250x128xf32>
      %exp3A = math.exp %sub3A_57 : vector<250x128xf32>
      %reduce_sum3A = vector.shape_cast %exp3A : vector<250x128xf32> to vector<1x250x128xf32>
      %reduce_sum3A_58 = arith.constant dense<0.000000e+00> : vector<1xf32>
      %reduce_sum3A_59 = vector.multi_reduction <add>, %reduce_sum3A, %reduce_sum3A_58 [1, 2] : vector<1x250x128xf32> to vector<1xf32>
      %reduce_sum3A_60 = vector.shape_cast %reduce_sum3A_59 : vector<1xf32> to vector<1x1x1xf32>
      %reduce_sum3A_61 = vector.extract %reduce_sum3A_60[0, 0, 0] : f32 from vector<1x1x1xf32>
      %log3A = math.log %reduce_sum3A_61 : f32
      %add3A = arith.addf %reduce_max3A_56, %log3A : f32
      %get3A_62 = arith.constant 0 : index
      %get3A_63 = arith.constant 0 : index
      %get3A_64 = vector.load %arg3[%get3A_62, %get3A_63] : memref<8x1536xi32, #tpu.memory_space<vmem>>, vector<8x1536xi32>
      %get3A_65 = arith.constant 0 : index
      %get3A_66 = arith.constant 0 : index
      %get3A_67 = vector.load %arg4[%get3A_65, %get3A_66] : memref<8x1536xf32, #tpu.memory_space<vmem>>, vector<8x1536xf32>
      %iota3A_68 = tpu.iota {dimensions = array<i32: 1>} : vector<8x1536xi32>
      %jit3A_69 = arith.constant 96 : i32
      %div3A = vector.broadcast %jit3A_69 : i32 to vector<8x1536xi32>
      %div3A_70 = arith.divsi %iota3A_68, %div3A : vector<8x1536xi32>
      %sign3A = arith.constant 0 : i32
      %sign3A_71 = vector.broadcast %sign3A : i32 to vector<8x1536xi32>
      %sign3A_72 = arith.cmpi sgt, %iota3A_68, %sign3A_71 : vector<8x1536xi32>
      %sign3A_73 = arith.extui %sign3A_72 : vector<8x1536xi1> to vector<8x1536xi32>
      %sign3A_74 = arith.constant 0 : i32
      %sign3A_75 = vector.broadcast %sign3A_74 : i32 to vector<8x1536xi32>
      %sign3A_76 = arith.cmpi slt, %iota3A_68, %sign3A_75 : vector<8x1536xi32>
      %sign3A_77 = arith.extui %sign3A_76 : vector<8x1536xi1> to vector<8x1536xi32>
      %sign3A_78 = arith.subi %sign3A_73, %sign3A_77 : vector<8x1536xi32>
      %sign3A_79 = arith.constant 0 : i32
      %sign3A_80 = arith.cmpi sgt, %jit3A_69, %sign3A_79 : i32
      %sign3A_81 = arith.extui %sign3A_80 : i1 to i32
      %sign3A_82 = arith.constant 0 : i32
      %sign3A_83 = arith.cmpi slt, %jit3A_69, %sign3A_82 : i32
      %sign3A_84 = arith.extui %sign3A_83 : i1 to i32
      %sign3A_85 = arith.subi %sign3A_81, %sign3A_84 : i32
      %ne3A_86 = vector.broadcast %sign3A_85 : i32 to vector<8x1536xi32>
      %ne3A_87 = arith.cmpi ne, %sign3A_78, %ne3A_86 : vector<8x1536xi32>
      %rem3A = vector.broadcast %jit3A_69 : i32 to vector<8x1536xi32>
      %rem3A_88 = arith.remsi %iota3A_68, %rem3A : vector<8x1536xi32>
      %ne3A_89 = arith.constant 0 : i32
      %ne3A_90 = vector.broadcast %ne3A_89 : i32 to vector<8x1536xi32>
      %ne3A_91 = arith.cmpi ne, %rem3A_88, %ne3A_90 : vector<8x1536xi32>
      %and3A_92 = arith.andi %ne3A_87, %ne3A_91 : vector<8x1536xi1>
      %sub3A_93 = arith.constant 1 : i32
      %sub3A_94 = vector.broadcast %sub3A_93 : i32 to vector<8x1536xi32>
      %sub3A_95 = arith.subi %div3A_70, %sub3A_94 : vector<8x1536xi32>
      %select_n3A_96 = arith.select %and3A_92, %sub3A_95, %div3A_70 : vector<8x1536xi1>, vector<8x1536xi32>
      %jit3A_97 = arith.constant 96 : i32
      %eq3A_98 = arith.constant 0 : i32
      %eq3A_99 = arith.cmpi eq, %jit3A_97, %eq3A_98 : i32
      %jit3A_100 = arith.constant 1 : i32
      %select_n3A_101 = arith.select %eq3A_99, %jit3A_100, %jit3A_97 : i32
      %rem3A_102 = vector.broadcast %select_n3A_101 : i32 to vector<8x1536xi32>
      %rem3A_103 = arith.remsi %iota3A_68, %rem3A_102 : vector<8x1536xi32>
      %ne3A_104 = arith.constant 0 : i32
      %ne3A_105 = vector.broadcast %ne3A_104 : i32 to vector<8x1536xi32>
      %ne3A_106 = arith.cmpi ne, %rem3A_103, %ne3A_105 : vector<8x1536xi32>
      %lt3A = arith.constant 0 : i32
      %lt3A_107 = vector.broadcast %lt3A : i32 to vector<8x1536xi32>
      %lt3A_108 = arith.cmpi slt, %rem3A_103, %lt3A_107 : vector<8x1536xi32>
      %lt3A_109 = arith.constant 0 : i32
      %lt3A_110 = arith.cmpi slt, %select_n3A_101, %lt3A_109 : i32
      %ne3A_111 = vector.broadcast %lt3A_110 : i1 to vector<8x1536xi1>
      %ne3A_112 = vector.broadcast %ne3A_111 : vector<8x1536xi1> to vector<8x1536xi1>
      %ne3A_113 = arith.xori %lt3A_108, %ne3A_112 : vector<8x1536xi1>
      %and3A_114 = arith.andi %ne3A_113, %ne3A_106 : vector<8x1536xi1>
      %add3A_115 = vector.broadcast %select_n3A_101 : i32 to vector<8x1536xi32>
      %add3A_116 = arith.addi %rem3A_103, %add3A_115 : vector<8x1536xi32>
      %select_n3A_117 = arith.select %and3A_114, %add3A_116, %rem3A_103 : vector<8x1536xi1>, vector<8x1536xi32>
      %jit3A_118 = arith.constant 8 : i32
      %div3A_119 = vector.broadcast %jit3A_118 : i32 to vector<8x1536xi32>
      %div3A_120 = arith.divsi %select_n3A_117, %div3A_119 : vector<8x1536xi32>
      %sign3A_121 = arith.constant 0 : i32
      %sign3A_122 = vector.broadcast %sign3A_121 : i32 to vector<8x1536xi32>
      %sign3A_123 = arith.cmpi sgt, %select_n3A_117, %sign3A_122 : vector<8x1536xi32>
      %sign3A_124 = arith.extui %sign3A_123 : vector<8x1536xi1> to vector<8x1536xi32>
      %sign3A_125 = arith.constant 0 : i32
      %sign3A_126 = vector.broadcast %sign3A_125 : i32 to vector<8x1536xi32>
      %sign3A_127 = arith.cmpi slt, %select_n3A_117, %sign3A_126 : vector<8x1536xi32>
      %sign3A_128 = arith.extui %sign3A_127 : vector<8x1536xi1> to vector<8x1536xi32>
      %sign3A_129 = arith.subi %sign3A_124, %sign3A_128 : vector<8x1536xi32>
      %sign3A_130 = arith.constant 0 : i32
      %sign3A_131 = arith.cmpi sgt, %jit3A_118, %sign3A_130 : i32
      %sign3A_132 = arith.extui %sign3A_131 : i1 to i32
      %sign3A_133 = arith.constant 0 : i32
      %sign3A_134 = arith.cmpi slt, %jit3A_118, %sign3A_133 : i32
      %sign3A_135 = arith.extui %sign3A_134 : i1 to i32
      %sign3A_136 = arith.subi %sign3A_132, %sign3A_135 : i32
      %ne3A_137 = vector.broadcast %sign3A_136 : i32 to vector<8x1536xi32>
      %ne3A_138 = arith.cmpi ne, %sign3A_129, %ne3A_137 : vector<8x1536xi32>
      %rem3A_139 = vector.broadcast %jit3A_118 : i32 to vector<8x1536xi32>
      %rem3A_140 = arith.remsi %select_n3A_117, %rem3A_139 : vector<8x1536xi32>
      %ne3A_141 = arith.constant 0 : i32
      %ne3A_142 = vector.broadcast %ne3A_141 : i32 to vector<8x1536xi32>
      %ne3A_143 = arith.cmpi ne, %rem3A_140, %ne3A_142 : vector<8x1536xi32>
      %and3A_144 = arith.andi %ne3A_138, %ne3A_143 : vector<8x1536xi1>
      %sub3A_145 = arith.constant 1 : i32
      %sub3A_146 = vector.broadcast %sub3A_145 : i32 to vector<8x1536xi32>
      %sub3A_147 = arith.subi %div3A_120, %sub3A_146 : vector<8x1536xi32>
      %select_n3A_148 = arith.select %and3A_144, %sub3A_147, %div3A_120 : vector<8x1536xi1>, vector<8x1536xi32>
      %jit3A_149 = arith.constant 8 : i32
      %eq3A_150 = arith.constant 0 : i32
      %eq3A_151 = arith.cmpi eq, %jit3A_149, %eq3A_150 : i32
      %jit3A_152 = arith.constant 1 : i32
      %select_n3A_153 = arith.select %eq3A_151, %jit3A_152, %jit3A_149 : i32
      %rem3A_154 = vector.broadcast %select_n3A_153 : i32 to vector<8x1536xi32>
      %rem3A_155 = arith.remsi %select_n3A_117, %rem3A_154 : vector<8x1536xi32>
      %ne3A_156 = arith.constant 0 : i32
      %ne3A_157 = vector.broadcast %ne3A_156 : i32 to vector<8x1536xi32>
      %ne3A_158 = arith.cmpi ne, %rem3A_155, %ne3A_157 : vector<8x1536xi32>
      %lt3A_159 = arith.constant 0 : i32
      %lt3A_160 = vector.broadcast %lt3A_159 : i32 to vector<8x1536xi32>
      %lt3A_161 = arith.cmpi slt, %rem3A_155, %lt3A_160 : vector<8x1536xi32>
      %lt3A_162 = arith.constant 0 : i32
      %lt3A_163 = arith.cmpi slt, %select_n3A_153, %lt3A_162 : i32
      %ne3A_164 = vector.broadcast %lt3A_163 : i1 to vector<8x1536xi1>
      %ne3A_165 = vector.broadcast %ne3A_164 : vector<8x1536xi1> to vector<8x1536xi1>
      %ne3A_166 = arith.xori %lt3A_161, %ne3A_165 : vector<8x1536xi1>
      %and3A_167 = arith.andi %ne3A_166, %ne3A_158 : vector<8x1536xi1>
      %add3A_168 = vector.broadcast %select_n3A_153 : i32 to vector<8x1536xi32>
      %add3A_169 = arith.addi %rem3A_155, %add3A_168 : vector<8x1536xi32>
      %select_n3A_170 = arith.select %and3A_167, %add3A_169, %rem3A_155 : vector<8x1536xi1>, vector<8x1536xi32>
      %add3A_171 = arith.addi %select_n3A_170, %select_n3A_148 : vector<8x1536xi32>
      %add3A_172 = arith.constant 1 : i32
      %add3A_173 = vector.broadcast %add3A_172 : i32 to vector<8x1536xi32>
      %add3A_174 = arith.addi %add3A_171, %add3A_173 : vector<8x1536xi32>
      %le3A = arith.constant 8 : i32
      %le3A_175 = vector.broadcast %le3A : i32 to vector<8x1536xi32>
      %le3A_176 = arith.cmpi sle, %add3A_174, %le3A_175 : vector<8x1536xi32>
      %ne3A_177 = arith.constant 0 : i32
      %ne3A_178 = vector.broadcast %ne3A_177 : i32 to vector<8x1536xi32>
      %ne3A_179 = arith.cmpi ne, %get3A_64, %ne3A_178 : vector<8x1536xi32>
      %and3A_180 = arith.andi %ne3A_179, %le3A_176 : vector<8x1536xi1>
      %sub3A_181 = vector.broadcast %add3A : f32 to vector<8x1536xf32>
      %sub3A_182 = arith.subf %get3A_67, %sub3A_181 : vector<8x1536xf32>
      %jit3A_183 = arith.constant -1.000000e+04 : f32
      %broadcast_in_dim3A_184 = vector.broadcast %jit3A_183 : f32 to vector<8x1536xf32>
      %select_n3A_185 = arith.select %and3A_180, %sub3A_182, %broadcast_in_dim3A_184 : vector<8x1536xi1>, vector<8x1536xf32>
      %swap3A_186 = arith.constant 0 : index
      %swap3A_187 = arith.constant 0 : index
      %swap3A_188 = vector.load %arg7[%swap3A_186, %swap3A_187] : memref<8x1536xf32, #tpu.memory_space<vmem>>, vector<8x1536xf32>
      tpu.vector_store %arg7[%swap3A_186, %swap3A_187], %select_n3A_185 {strides = array<i32>} : memref<8x1536xf32, #tpu.memory_space<vmem>>, vector<8x1536xf32>,
      %jit3A_189 = arith.constant 0 : i32
      %broadcast_in_dim3A_190 = vector.broadcast %jit3A_189 : i32 to vector<8x1536xi32>
      %select_n3A_191 = arith.select %and3A_180, %get3A_64, %broadcast_in_dim3A_190 : vector<8x1536xi1>, vector<8x1536xi32>
      %swap3A_192 = arith.constant 0 : index
      %swap3A_193 = arith.constant 0 : index
      %swap3A_194 = vector.load %arg8[%swap3A_192, %swap3A_193] : memref<8x1536xi32, #tpu.memory_space<vmem>>, vector<8x1536xi32>
      tpu.vector_store %arg8[%swap3A_192, %swap3A_193], %select_n3A_191 {strides = array<i32>} : memref<8x1536xi32, #tpu.memory_space<vmem>>, vector<8x1536xi32>,
      %convert_element_type3A_195 = arith.extui %and3A_180 : vector<8x1536xi1> to vector<8x1536xi32>
      %convert_element_type3A_196 = arith.sitofp %convert_element_type3A_195 : vector<8x1536xi32> to vector<8x1536xf32>
      %convert_element_type3A_197 = arith.extui %and3A_180 : vector<8x1536xi1> to vector<8x1536xi32>
      %swap3A_198 = arith.constant 0 : index
      %swap3A_199 = arith.constant 0 : index
      %swap3A_200 = vector.load %arg9[%swap3A_198, %swap3A_199] : memref<8x1536xi32, #tpu.memory_space<vmem>>, vector<8x1536xi32>
      tpu.vector_store %arg9[%swap3A_198, %swap3A_199], %convert_element_type3A_197 {strides = array<i32>} : memref<8x1536xi32, #tpu.memory_space<vmem>>, vector<8x1536xi32>,
      %mul3A_201 = arith.constant 8 : i32
      %mul3A_202 = vector.broadcast %mul3A_201 : i32 to vector<8x1536xi32>
      %mul3A_203 = arith.muli %select_n3A_96, %mul3A_202 : vector<8x1536xi32>
      %add3A_204 = arith.addi %mul3A_203, %select_n3A_170 : vector<8x1536xi32>
      %swap3A_205 = arith.constant 0 : index
      %swap3A_206 = arith.constant 0 : index
      %swap3A_207 = vector.load %arg10[%swap3A_205, %swap3A_206] : memref<8x1536xi32, #tpu.memory_space<vmem>>, vector<8x1536xi32>
      tpu.vector_store %arg10[%swap3A_205, %swap3A_206], %add3A_204 {strides = array<i32>} : memref<8x1536xi32, #tpu.memory_space<vmem>>, vector<8x1536xi32>,
      %swap3A_208 = arith.constant 0 : index
      %swap3A_209 = arith.constant 0 : index
      %swap3A_210 = vector.load %arg11[%swap3A_208, %swap3A_209] : memref<8x1536xi32, #tpu.memory_space<vmem>>, vector<8x1536xi32>
      tpu.vector_store %arg11[%swap3A_208, %swap3A_209], %select_n3A_96 {strides = array<i32>} : memref<8x1536xi32, #tpu.memory_space<vmem>>, vector<8x1536xi32>,
      %get3A_211 = arith.constant 0 : index
      %get3A_212 = arith.constant 0 : index
      %get3A_213 = vector.load %arg5[%get3A_211, %get3A_212] : memref<96x128xi32, #tpu.memory_space<vmem>>, vector<96x128xi32>
      %get3A_214 = arith.constant 0 : index
      %get3A_215 = arith.constant 0 : index
      %get3A_216 = vector.load %arg6[%get3A_214, %get3A_215] : memref<96x128xf32, #tpu.memory_space<vmem>>, vector<96x128xf32>
      %iota3A_217 = tpu.iota {dimensions = array<i32: 0>} : vector<96x128xi32>
      %jit3A_218 = arith.constant 8 : i32
      %eq3A_219 = arith.constant 0 : i32
      %eq3A_220 = arith.cmpi eq, %jit3A_218, %eq3A_219 : i32
      %jit3A_221 = arith.constant 1 : i32
      %select_n3A_222 = arith.select %eq3A_220, %jit3A_221, %jit3A_218 : i32
      %rem3A_223 = vector.broadcast %select_n3A_222 : i32 to vector<96x128xi32>
      %rem3A_224 = arith.remsi %iota3A_217, %rem3A_223 : vector<96x128xi32>
      %ne3A_225 = arith.constant 0 : i32
      %ne3A_226 = vector.broadcast %ne3A_225 : i32 to vector<96x128xi32>
      %ne3A_227 = arith.cmpi ne, %rem3A_224, %ne3A_226 : vector<96x128xi32>
      %lt3A_228 = arith.constant 0 : i32
      %lt3A_229 = vector.broadcast %lt3A_228 : i32 to vector<96x128xi32>
      %lt3A_230 = arith.cmpi slt, %rem3A_224, %lt3A_229 : vector<96x128xi32>
      %lt3A_231 = arith.constant 0 : i32
      %lt3A_232 = arith.cmpi slt, %select_n3A_222, %lt3A_231 : i32
      %ne3A_233 = vector.broadcast %lt3A_232 : i1 to vector<96x128xi1>
      %ne3A_234 = vector.broadcast %ne3A_233 : vector<96x128xi1> to vector<96x128xi1>
      %ne3A_235 = arith.xori %lt3A_230, %ne3A_234 : vector<96x128xi1>
      %and3A_236 = arith.andi %ne3A_235, %ne3A_227 : vector<96x128xi1>
      %add3A_237 = vector.broadcast %select_n3A_222 : i32 to vector<96x128xi32>
      %add3A_238 = arith.addi %rem3A_224, %add3A_237 : vector<96x128xi32>
      %select_n3A_239 = arith.select %and3A_236, %add3A_238, %rem3A_224 : vector<96x128xi1>, vector<96x128xi32>
      %jit3A_240 = arith.constant 8 : i32
      %div3A_241 = vector.broadcast %jit3A_240 : i32 to vector<96x128xi32>
      %div3A_242 = arith.divsi %iota3A_217, %div3A_241 : vector<96x128xi32>
      %sign3A_243 = arith.constant 0 : i32
      %sign3A_244 = vector.broadcast %sign3A_243 : i32 to vector<96x128xi32>
      %sign3A_245 = arith.cmpi sgt, %iota3A_217, %sign3A_244 : vector<96x128xi32>
      %sign3A_246 = arith.extui %sign3A_245 : vector<96x128xi1> to vector<96x128xi32>
      %sign3A_247 = arith.constant 0 : i32
      %sign3A_248 = vector.broadcast %sign3A_247 : i32 to vector<96x128xi32>
      %sign3A_249 = arith.cmpi slt, %iota3A_217, %sign3A_248 : vector<96x128xi32>
      %sign3A_250 = arith.extui %sign3A_249 : vector<96x128xi1> to vector<96x128xi32>
      %sign3A_251 = arith.subi %sign3A_246, %sign3A_250 : vector<96x128xi32>
      %sign3A_252 = arith.constant 0 : i32
      %sign3A_253 = arith.cmpi sgt, %jit3A_240, %sign3A_252 : i32
      %sign3A_254 = arith.extui %sign3A_253 : i1 to i32
      %sign3A_255 = arith.constant 0 : i32
      %sign3A_256 = arith.cmpi slt, %jit3A_240, %sign3A_255 : i32
      %sign3A_257 = arith.extui %sign3A_256 : i1 to i32
      %sign3A_258 = arith.subi %sign3A_254, %sign3A_257 : i32
      %ne3A_259 = vector.broadcast %sign3A_258 : i32 to vector<96x128xi32>
      %ne3A_260 = arith.cmpi ne, %sign3A_251, %ne3A_259 : vector<96x128xi32>
      %rem3A_261 = vector.broadcast %jit3A_240 : i32 to vector<96x128xi32>
      %rem3A_262 = arith.remsi %iota3A_217, %rem3A_261 : vector<96x128xi32>
      %ne3A_263 = arith.constant 0 : i32
      %ne3A_264 = vector.broadcast %ne3A_263 : i32 to vector<96x128xi32>
      %ne3A_265 = arith.cmpi ne, %rem3A_262, %ne3A_264 : vector<96x128xi32>
      %and3A_266 = arith.andi %ne3A_260, %ne3A_265 : vector<96x128xi1>
      %sub3A_267 = arith.constant 1 : i32
      %sub3A_268 = vector.broadcast %sub3A_267 : i32 to vector<96x128xi32>
      %sub3A_269 = arith.subi %div3A_242, %sub3A_268 : vector<96x128xi32>
      %select_n3A_270 = arith.select %and3A_266, %sub3A_269, %div3A_242 : vector<96x128xi1>, vector<96x128xi32>
      %add3A_271 = arith.addi %select_n3A_239, %select_n3A_270 : vector<96x128xi32>
      %add3A_272 = arith.constant 1 : i32
      %add3A_273 = vector.broadcast %add3A_272 : i32 to vector<96x128xi32>
      %add3A_274 = arith.addi %add3A_271, %add3A_273 : vector<96x128xi32>
      %le3A_275 = arith.constant 8 : i32
      %le3A_276 = vector.broadcast %le3A_275 : i32 to vector<96x128xi32>
      %le3A_277 = arith.cmpi sle, %add3A_274, %le3A_276 : vector<96x128xi32>
      %ne3A_278 = arith.constant 0 : i32
      %ne3A_279 = vector.broadcast %ne3A_278 : i32 to vector<96x128xi32>
      %ne3A_280 = arith.cmpi ne, %get3A_213, %ne3A_279 : vector<96x128xi32>
      %and3A_281 = arith.andi %ne3A_280, %le3A_277 : vector<96x128xi1>
      %sub3A_282 = vector.broadcast %add3A : f32 to vector<96x128xf32>
      %sub3A_283 = arith.subf %get3A_216, %sub3A_282 : vector<96x128xf32>
      %jit3A_284 = arith.constant -1.000000e+04 : f32
      %broadcast_in_dim3A_285 = vector.broadcast %jit3A_284 : f32 to vector<96x128xf32>
      %select_n3A_286 = arith.select %and3A_281, %sub3A_283, %broadcast_in_dim3A_285 : vector<96x128xi1>, vector<96x128xf32>
      %broadcast_in_dim3A_287 = arith.constant 0.000000e+00 : f32
      %broadcast_in_dim3A_288 = vector.broadcast %broadcast_in_dim3A_287 : f32 to vector<1x128xf32>
      %slice3A = vector.extract_strided_slice %select_n3A_286 {offsets = [0, 0], sizes = [1, 128], strides = [1, 1]} : vector<96x128xf32> to vector<1x128xf32>
      %add3A_289 = arith.addf %broadcast_in_dim3A_288, %slice3A : vector<1x128xf32>
      %sub3A_290 = arith.subf %add3A_289, %add3A_289 : vector<1x128xf32>
      %exp3A_291 = math.exp %sub3A_290 : vector<1x128xf32>
      %log3A_292 = math.log %exp3A_291 : vector<1x128xf32>
      %add3A_293 = arith.addf %add3A_289, %log3A_292 : vector<1x128xf32>
      %slice3A_294 = vector.extract_strided_slice %select_n3A_286 {offsets = [1, 0], sizes = [1, 128], strides = [1, 1]} : vector<96x128xf32> to vector<1x128xf32>
      %add3A_295 = arith.addf %add3A_293, %slice3A_294 : vector<1x128xf32>
      %slice3A_296 = vector.extract_strided_slice %select_n3A_286 {offsets = [8, 0], sizes = [1, 128], strides = [1, 1]} : vector<96x128xf32> to vector<1x128xf32>
      %add3A_297 = arith.addf %broadcast_in_dim3A_288, %slice3A_296 : vector<1x128xf32>
      %max3A = arith.maximumf %add3A_295, %add3A_297 : vector<1x128xf32>
      %sub3A_298 = arith.subf %add3A_295, %max3A : vector<1x128xf32>
      %exp3A_299 = math.exp %sub3A_298 : vector<1x128xf32>
      %sub3A_300 = arith.subf %add3A_297, %max3A : vector<1x128xf32>
      %exp3A_301 = math.exp %sub3A_300 : vector<1x128xf32>
      %add3A_302 = arith.addf %exp3A_299, %exp3A_301 : vector<1x128xf32>
      %log3A_303 = math.log %add3A_302 : vector<1x128xf32>
      %add3A_304 = arith.addf %max3A, %log3A_303 : vector<1x128xf32>
      %slice3A_305 = vector.extract_strided_slice %select_n3A_286 {offsets = [2, 0], sizes = [1, 128], strides = [1, 1]} : vector<96x128xf32> to vector<1x128xf32>
      %add3A_306 = arith.addf %add3A_304, %slice3A_305 : vector<1x128xf32>
      %slice3A_307 = vector.extract_strided_slice %select_n3A_286 {offsets = [9, 0], sizes = [1, 128], strides = [1, 1]} : vector<96x128xf32> to vector<1x128xf32>
      %add3A_308 = arith.addf %add3A_293, %slice3A_307 : vector<1x128xf32>
      %slice3A_309 = vector.extract_strided_slice %select_n3A_286 {offsets = [16, 0], sizes = [1, 128], strides = [1, 1]} : vector<96x128xf32> to vector<1x128xf32>
      %add3A_310 = arith.addf %broadcast_in_dim3A_288, %slice3A_309 : vector<1x128xf32>
      %max3A_311 = arith.maximumf %add3A_306, %add3A_308 : vector<1x128xf32>
      %max3A_312 = arith.maximumf %max3A_311, %add3A_310 : vector<1x128xf32>
      %sub3A_313 = arith.subf %add3A_306, %max3A_312 : vector<1x128xf32>
      %exp3A_314 = math.exp %sub3A_313 : vector<1x128xf32>
      %sub3A_315 = arith.subf %add3A_308, %max3A_312 : vector<1x128xf32>
      %exp3A_316 = math.exp %sub3A_315 : vector<1x128xf32>
      %add3A_317 = arith.addf %exp3A_314, %exp3A_316 : vector<1x128xf32>
      %sub3A_318 = arith.subf %add3A_310, %max3A_312 : vector<1x128xf32>
      %exp3A_319 = math.exp %sub3A_318 : vector<1x128xf32>
      %add3A_320 = arith.addf %add3A_317, %exp3A_319 : vector<1x128xf32>
      %log3A_321 = math.log %add3A_320 : vector<1x128xf32>
      %add3A_322 = arith.addf %max3A_312, %log3A_321 : vector<1x128xf32>
      %slice3A_323 = vector.extract_strided_slice %select_n3A_286 {offsets = [3, 0], sizes = [1, 128], strides = [1, 1]} : vector<96x128xf32> to vector<1x128xf32>
      %add3A_324 = arith.addf %add3A_322, %slice3A_323 : vector<1x128xf32>
      %slice3A_325 = vector.extract_strided_slice %select_n3A_286 {offsets = [10, 0], sizes = [1, 128], strides = [1, 1]} : vector<96x128xf32> to vector<1x128xf32>
      %add3A_326 = arith.addf %add3A_304, %slice3A_325 : vector<1x128xf32>
      %slice3A_327 = vector.extract_strided_slice %select_n3A_286 {offsets = [17, 0], sizes = [1, 128], strides = [1, 1]} : vector<96x128xf32> to vector<1x128xf32>
      %add3A_328 = arith.addf %add3A_293, %slice3A_327 : vector<1x128xf32>
      %slice3A_329 = vector.extract_strided_slice %select_n3A_286 {offsets = [24, 0], sizes = [1, 128], strides = [1, 1]} : vector<96x128xf32> to vector<1x128xf32>
      %add3A_330 = arith.addf %broadcast_in_dim3A_288, %slice3A_329 : vector<1x128xf32>
      %max3A_331 = arith.maximumf %add3A_324, %add3A_326 : vector<1x128xf32>
      %max3A_332 = arith.maximumf %max3A_331, %add3A_328 : vector<1x128xf32>
      %max3A_333 = arith.maximumf %max3A_332, %add3A_330 : vector<1x128xf32>
      %sub3A_334 = arith.subf %add3A_324, %max3A_333 : vector<1x128xf32>
      %exp3A_335 = math.exp %sub3A_334 : vector<1x128xf32>
      %sub3A_336 = arith.subf %add3A_326, %max3A_333 : vector<1x128xf32>
      %exp3A_337 = math.exp %sub3A_336 : vector<1x128xf32>
      %add3A_338 = arith.addf %exp3A_335, %exp3A_337 : vector<1x128xf32>
      %sub3A_339 = arith.subf %add3A_328, %max3A_333 : vector<1x128xf32>
      %exp3A_340 = math.exp %sub3A_339 : vector<1x128xf32>
      %add3A_341 = arith.addf %add3A_338, %exp3A_340 : vector<1x128xf32>
      %sub3A_342 = arith.subf %add3A_330, %max3A_333 : vector<1x128xf32>
      %exp3A_343 = math.exp %sub3A_342 : vector<1x128xf32>
      %add3A_344 = arith.addf %add3A_341, %exp3A_343 : vector<1x128xf32>
      %log3A_345 = math.log %add3A_344 : vector<1x128xf32>
      %add3A_346 = arith.addf %max3A_333, %log3A_345 : vector<1x128xf32>
      %slice3A_347 = vector.extract_strided_slice %select_n3A_286 {offsets = [4, 0], sizes = [1, 128], strides = [1, 1]} : vector<96x128xf32> to vector<1x128xf32>
      %add3A_348 = arith.addf %add3A_346, %slice3A_347 : vector<1x128xf32>
      %slice3A_349 = vector.extract_strided_slice %select_n3A_286 {offsets = [11, 0], sizes = [1, 128], strides = [1, 1]} : vector<96x128xf32> to vector<1x128xf32>
      %add3A_350 = arith.addf %add3A_322, %slice3A_349 : vector<1x128xf32>
      %slice3A_351 = vector.extract_strided_slice %select_n3A_286 {offsets = [18, 0], sizes = [1, 128], strides = [1, 1]} : vector<96x128xf32> to vector<1x128xf32>
      %add3A_352 = arith.addf %add3A_304, %slice3A_351 : vector<1x128xf32>
      %slice3A_353 = vector.extract_strided_slice %select_n3A_286 {offsets = [25, 0], sizes = [1, 128], strides = [1, 1]} : vector<96x128xf32> to vector<1x128xf32>
      %add3A_354 = arith.addf %add3A_293, %slice3A_353 : vector<1x128xf32>
      %slice3A_355 = vector.extract_strided_slice %select_n3A_286 {offsets = [32, 0], sizes = [1, 128], strides = [1, 1]} : vector<96x128xf32> to vector<1x128xf32>
      %add3A_356 = arith.addf %broadcast_in_dim3A_288, %slice3A_355 : vector<1x128xf32>
      %max3A_357 = arith.maximumf %add3A_348, %add3A_350 : vector<1x128xf32>
      %max3A_358 = arith.maximumf %max3A_357, %add3A_352 : vector<1x128xf32>
      %max3A_359 = arith.maximumf %max3A_358, %add3A_354 : vector<1x128xf32>
      %max3A_360 = arith.maximumf %max3A_359, %add3A_356 : vector<1x128xf32>
      %sub3A_361 = arith.subf %add3A_348, %max3A_360 : vector<1x128xf32>
      %exp3A_362 = math.exp %sub3A_361 : vector<1x128xf32>
      %sub3A_363 = arith.subf %add3A_350, %max3A_360 : vector<1x128xf32>
      %exp3A_364 = math.exp %sub3A_363 : vector<1x128xf32>
      %add3A_365 = arith.addf %exp3A_362, %exp3A_364 : vector<1x128xf32>
      %sub3A_366 = arith.subf %add3A_352, %max3A_360 : vector<1x128xf32>
      %exp3A_367 = math.exp %sub3A_366 : vector<1x128xf32>
      %add3A_368 = arith.addf %add3A_365, %exp3A_367 : vector<1x128xf32>
      %sub3A_369 = arith.subf %add3A_354, %max3A_360 : vector<1x128xf32>
      %exp3A_370 = math.exp %sub3A_369 : vector<1x128xf32>
      %add3A_371 = arith.addf %add3A_368, %exp3A_370 : vector<1x128xf32>
      %sub3A_372 = arith.subf %add3A_356, %max3A_360 : vector<1x128xf32>
      %exp3A_373 = math.exp %sub3A_372 : vector<1x128xf32>
      %add3A_374 = arith.addf %add3A_371, %exp3A_373 : vector<1x128xf32>
      %log3A_375 = math.log %add3A_374 : vector<1x128xf32>
      %add3A_376 = arith.addf %max3A_360, %log3A_375 : vector<1x128xf32>
      %slice3A_377 = vector.extract_strided_slice %select_n3A_286 {offsets = [5, 0], sizes = [1, 128], strides = [1, 1]} : vector<96x128xf32> to vector<1x128xf32>
      %add3A_378 = arith.addf %add3A_376, %slice3A_377 : vector<1x128xf32>
      %slice3A_379 = vector.extract_strided_slice %select_n3A_286 {offsets = [12, 0], sizes = [1, 128], strides = [1, 1]} : vector<96x128xf32> to vector<1x128xf32>
      %add3A_380 = arith.addf %add3A_346, %slice3A_379 : vector<1x128xf32>
      %slice3A_381 = vector.extract_strided_slice %select_n3A_286 {offsets = [19, 0], sizes = [1, 128], strides = [1, 1]} : vector<96x128xf32> to vector<1x128xf32>
      %add3A_382 = arith.addf %add3A_322, %slice3A_381 : vector<1x128xf32>
      %slice3A_383 = vector.extract_strided_slice %select_n3A_286 {offsets = [26, 0], sizes = [1, 128], strides = [1, 1]} : vector<96x128xf32> to vector<1x128xf32>
      %add3A_384 = arith.addf %add3A_304, %slice3A_383 : vector<1x128xf32>
      %slice3A_385 = vector.extract_strided_slice %select_n3A_286 {offsets = [33, 0], sizes = [1, 128], strides = [1, 1]} : vector<96x128xf32> to vector<1x128xf32>
      %add3A_386 = arith.addf %add3A_293, %slice3A_385 : vector<1x128xf32>
      %slice3A_387 = vector.extract_strided_slice %select_n3A_286 {offsets = [40, 0], sizes = [1, 128], strides = [1, 1]} : vector<96x128xf32> to vector<1x128xf32>
      %add3A_388 = arith.addf %broadcast_in_dim3A_288, %slice3A_387 : vector<1x128xf32>
      %max3A_389 = arith.maximumf %add3A_378, %add3A_380 : vector<1x128xf32>
      %max3A_390 = arith.maximumf %max3A_389, %add3A_382 : vector<1x128xf32>
      %max3A_391 = arith.maximumf %max3A_390, %add3A_384 : vector<1x128xf32>
      %max3A_392 = arith.maximumf %max3A_391, %add3A_386 : vector<1x128xf32>
      %max3A_393 = arith.maximumf %max3A_392, %add3A_388 : vector<1x128xf32>
      %sub3A_394 = arith.subf %add3A_378, %max3A_393 : vector<1x128xf32>
      %exp3A_395 = math.exp %sub3A_394 : vector<1x128xf32>
      %sub3A_396 = arith.subf %add3A_380, %max3A_393 : vector<1x128xf32>
      %exp3A_397 = math.exp %sub3A_396 : vector<1x128xf32>
      %add3A_398 = arith.addf %exp3A_395, %exp3A_397 : vector<1x128xf32>
      %sub3A_399 = arith.subf %add3A_382, %max3A_393 : vector<1x128xf32>
      %exp3A_400 = math.exp %sub3A_399 : vector<1x128xf32>
      %add3A_401 = arith.addf %add3A_398, %exp3A_400 : vector<1x128xf32>
      %sub3A_402 = arith.subf %add3A_384, %max3A_393 : vector<1x128xf32>
      %exp3A_403 = math.exp %sub3A_402 : vector<1x128xf32>
      %add3A_404 = arith.addf %add3A_401, %exp3A_403 : vector<1x128xf32>
      %sub3A_405 = arith.subf %add3A_386, %max3A_393 : vector<1x128xf32>
      %exp3A_406 = math.exp %sub3A_405 : vector<1x128xf32>
      %add3A_407 = arith.addf %add3A_404, %exp3A_406 : vector<1x128xf32>
      %sub3A_408 = arith.subf %add3A_388, %max3A_393 : vector<1x128xf32>
      %exp3A_409 = math.exp %sub3A_408 : vector<1x128xf32>
      %add3A_410 = arith.addf %add3A_407, %exp3A_409 : vector<1x128xf32>
      %log3A_411 = math.log %add3A_410 : vector<1x128xf32>
      %add3A_412 = arith.addf %max3A_393, %log3A_411 : vector<1x128xf32>
      %slice3A_413 = vector.extract_strided_slice %select_n3A_286 {offsets = [6, 0], sizes = [1, 128], strides = [1, 1]} : vector<96x128xf32> to vector<1x128xf32>
      %add3A_414 = arith.addf %add3A_412, %slice3A_413 : vector<1x128xf32>
      %slice3A_415 = vector.extract_strided_slice %select_n3A_286 {offsets = [13, 0], sizes = [1, 128], strides = [1, 1]} : vector<96x128xf32> to vector<1x128xf32>
      %add3A_416 = arith.addf %add3A_376, %slice3A_415 : vector<1x128xf32>
      %slice3A_417 = vector.extract_strided_slice %select_n3A_286 {offsets = [20, 0], sizes = [1, 128], strides = [1, 1]} : vector<96x128xf32> to vector<1x128xf32>
      %add3A_418 = arith.addf %add3A_346, %slice3A_417 : vector<1x128xf32>
      %slice3A_419 = vector.extract_strided_slice %select_n3A_286 {offsets = [27, 0], sizes = [1, 128], strides = [1, 1]} : vector<96x128xf32> to vector<1x128xf32>
      %add3A_420 = arith.addf %add3A_322, %slice3A_419 : vector<1x128xf32>
      %slice3A_421 = vector.extract_strided_slice %select_n3A_286 {offsets = [34, 0], sizes = [1, 128], strides = [1, 1]} : vector<96x128xf32> to vector<1x128xf32>
      %add3A_422 = arith.addf %add3A_304, %slice3A_421 : vector<1x128xf32>
      %slice3A_423 = vector.extract_strided_slice %select_n3A_286 {offsets = [41, 0], sizes = [1, 128], strides = [1, 1]} : vector<96x128xf32> to vector<1x128xf32>
      %add3A_424 = arith.addf %add3A_293, %slice3A_423 : vector<1x128xf32>
      %slice3A_425 = vector.extract_strided_slice %select_n3A_286 {offsets = [48, 0], sizes = [1, 128], strides = [1, 1]} : vector<96x128xf32> to vector<1x128xf32>
      %add3A_426 = arith.addf %broadcast_in_dim3A_288, %slice3A_425 : vector<1x128xf32>
      %max3A_427 = arith.maximumf %add3A_414, %add3A_416 : vector<1x128xf32>
      %max3A_428 = arith.maximumf %max3A_427, %add3A_418 : vector<1x128xf32>
      %max3A_429 = arith.maximumf %max3A_428, %add3A_420 : vector<1x128xf32>
      %max3A_430 = arith.maximumf %max3A_429, %add3A_422 : vector<1x128xf32>
      %max3A_431 = arith.maximumf %max3A_430, %add3A_424 : vector<1x128xf32>
      %max3A_432 = arith.maximumf %max3A_431, %add3A_426 : vector<1x128xf32>
      %sub3A_433 = arith.subf %add3A_414, %max3A_432 : vector<1x128xf32>
      %exp3A_434 = math.exp %sub3A_433 : vector<1x128xf32>
      %sub3A_435 = arith.subf %add3A_416, %max3A_432 : vector<1x128xf32>
      %exp3A_436 = math.exp %sub3A_435 : vector<1x128xf32>
      %add3A_437 = arith.addf %exp3A_434, %exp3A_436 : vector<1x128xf32>
      %sub3A_438 = arith.subf %add3A_418, %max3A_432 : vector<1x128xf32>
      %exp3A_439 = math.exp %sub3A_438 : vector<1x128xf32>
      %add3A_440 = arith.addf %add3A_437, %exp3A_439 : vector<1x128xf32>
      %sub3A_441 = arith.subf %add3A_420, %max3A_432 : vector<1x128xf32>
      %exp3A_442 = math.exp %sub3A_441 : vector<1x128xf32>
      %add3A_443 = arith.addf %add3A_440, %exp3A_442 : vector<1x128xf32>
      %sub3A_444 = arith.subf %add3A_422, %max3A_432 : vector<1x128xf32>
      %exp3A_445 = math.exp %sub3A_444 : vector<1x128xf32>
      %add3A_446 = arith.addf %add3A_443, %exp3A_445 : vector<1x128xf32>
      %sub3A_447 = arith.subf %add3A_424, %max3A_432 : vector<1x128xf32>
      %exp3A_448 = math.exp %sub3A_447 : vector<1x128xf32>
      %add3A_449 = arith.addf %add3A_446, %exp3A_448 : vector<1x128xf32>
      %sub3A_450 = arith.subf %add3A_426, %max3A_432 : vector<1x128xf32>
      %exp3A_451 = math.exp %sub3A_450 : vector<1x128xf32>
      %add3A_452 = arith.addf %add3A_449, %exp3A_451 : vector<1x128xf32>
      %log3A_453 = math.log %add3A_452 : vector<1x128xf32>
      %add3A_454 = arith.addf %max3A_432, %log3A_453 : vector<1x128xf32>
      %slice3A_455 = vector.extract_strided_slice %select_n3A_286 {offsets = [7, 0], sizes = [1, 128], strides = [1, 1]} : vector<96x128xf32> to vector<1x128xf32>
      %add3A_456 = arith.addf %add3A_454, %slice3A_455 : vector<1x128xf32>
      %slice3A_457 = vector.extract_strided_slice %select_n3A_286 {offsets = [14, 0], sizes = [1, 128], strides = [1, 1]} : vector<96x128xf32> to vector<1x128xf32>
      %add3A_458 = arith.addf %add3A_412, %slice3A_457 : vector<1x128xf32>
      %slice3A_459 = vector.extract_strided_slice %select_n3A_286 {offsets = [21, 0], sizes = [1, 128], strides = [1, 1]} : vector<96x128xf32> to vector<1x128xf32>
      %add3A_460 = arith.addf %add3A_376, %slice3A_459 : vector<1x128xf32>
      %slice3A_461 = vector.extract_strided_slice %select_n3A_286 {offsets = [28, 0], sizes = [1, 128], strides = [1, 1]} : vector<96x128xf32> to vector<1x128xf32>
      %add3A_462 = arith.addf %add3A_346, %slice3A_461 : vector<1x128xf32>
      %slice3A_463 = vector.extract_strided_slice %select_n3A_286 {offsets = [35, 0], sizes = [1, 128], strides = [1, 1]} : vector<96x128xf32> to vector<1x128xf32>
      %add3A_464 = arith.addf %add3A_322, %slice3A_463 : vector<1x128xf32>
      %slice3A_465 = vector.extract_strided_slice %select_n3A_286 {offsets = [42, 0], sizes = [1, 128], strides = [1, 1]} : vector<96x128xf32> to vector<1x128xf32>
      %add3A_466 = arith.addf %add3A_304, %slice3A_465 : vector<1x128xf32>
      %slice3A_467 = vector.extract_strided_slice %select_n3A_286 {offsets = [49, 0], sizes = [1, 128], strides = [1, 1]} : vector<96x128xf32> to vector<1x128xf32>
      %add3A_468 = arith.addf %add3A_293, %slice3A_467 : vector<1x128xf32>
      %slice3A_469 = vector.extract_strided_slice %select_n3A_286 {offsets = [56, 0], sizes = [1, 128], strides = [1, 1]} : vector<96x128xf32> to vector<1x128xf32>
      %add3A_470 = arith.addf %broadcast_in_dim3A_288, %slice3A_469 : vector<1x128xf32>
      %max3A_471 = arith.maximumf %add3A_456, %add3A_458 : vector<1x128xf32>
      %max3A_472 = arith.maximumf %max3A_471, %add3A_460 : vector<1x128xf32>
      %max3A_473 = arith.maximumf %max3A_472, %add3A_462 : vector<1x128xf32>
      %max3A_474 = arith.maximumf %max3A_473, %add3A_464 : vector<1x128xf32>
      %max3A_475 = arith.maximumf %max3A_474, %add3A_466 : vector<1x128xf32>
      %max3A_476 = arith.maximumf %max3A_475, %add3A_468 : vector<1x128xf32>
      %max3A_477 = arith.maximumf %max3A_476, %add3A_470 : vector<1x128xf32>
      %sub3A_478 = arith.subf %add3A_456, %max3A_477 : vector<1x128xf32>
      %exp3A_479 = math.exp %sub3A_478 : vector<1x128xf32>
      %sub3A_480 = arith.subf %add3A_458, %max3A_477 : vector<1x128xf32>
      %exp3A_481 = math.exp %sub3A_480 : vector<1x128xf32>
      %add3A_482 = arith.addf %exp3A_479, %exp3A_481 : vector<1x128xf32>
      %sub3A_483 = arith.subf %add3A_460, %max3A_477 : vector<1x128xf32>
      %exp3A_484 = math.exp %sub3A_483 : vector<1x128xf32>
      %add3A_485 = arith.addf %add3A_482, %exp3A_484 : vector<1x128xf32>
      %sub3A_486 = arith.subf %add3A_462, %max3A_477 : vector<1x128xf32>
      %exp3A_487 = math.exp %sub3A_486 : vector<1x128xf32>
      %add3A_488 = arith.addf %add3A_485, %exp3A_487 : vector<1x128xf32>
      %sub3A_489 = arith.subf %add3A_464, %max3A_477 : vector<1x128xf32>
      %exp3A_490 = math.exp %sub3A_489 : vector<1x128xf32>
      %add3A_491 = arith.addf %add3A_488, %exp3A_490 : vector<1x128xf32>
      %sub3A_492 = arith.subf %add3A_466, %max3A_477 : vector<1x128xf32>
      %exp3A_493 = math.exp %sub3A_492 : vector<1x128xf32>
      %add3A_494 = arith.addf %add3A_491, %exp3A_493 : vector<1x128xf32>
      %sub3A_495 = arith.subf %add3A_468, %max3A_477 : vector<1x128xf32>
      %exp3A_496 = math.exp %sub3A_495 : vector<1x128xf32>
      %add3A_497 = arith.addf %add3A_494, %exp3A_496 : vector<1x128xf32>
      %sub3A_498 = arith.subf %add3A_470, %max3A_477 : vector<1x128xf32>
      %exp3A_499 = math.exp %sub3A_498 : vector<1x128xf32>
      %add3A_500 = arith.addf %add3A_497, %exp3A_499 : vector<1x128xf32>
      %log3A_501 = math.log %add3A_500 : vector<1x128xf32>
      %add3A_502 = arith.addf %max3A_477, %log3A_501 : vector<1x128xf32>
      %slice3A_503 = vector.extract_strided_slice %select_n3A_286 {offsets = [7, 0], sizes = [1, 128], strides = [1, 1]} : vector<96x128xf32> to vector<1x128xf32>
      %add3A_504 = arith.addf %slice3A_503, %broadcast_in_dim3A_288 : vector<1x128xf32>
      %sub3A_505 = arith.subf %add3A_504, %add3A_504 : vector<1x128xf32>
      %exp3A_506 = math.exp %sub3A_505 : vector<1x128xf32>
      %log3A_507 = math.log %exp3A_506 : vector<1x128xf32>
      %add3A_508 = arith.addf %add3A_504, %log3A_507 : vector<1x128xf32>
      %slice3A_509 = vector.extract_strided_slice %select_n3A_286 {offsets = [6, 0], sizes = [1, 128], strides = [1, 1]} : vector<96x128xf32> to vector<1x128xf32>
      %add3A_510 = arith.addf %slice3A_509, %add3A_508 : vector<1x128xf32>
      %slice3A_511 = vector.extract_strided_slice %select_n3A_286 {offsets = [14, 0], sizes = [1, 128], strides = [1, 1]} : vector<96x128xf32> to vector<1x128xf32>
      %add3A_512 = arith.addf %slice3A_511, %broadcast_in_dim3A_288 : vector<1x128xf32>
      %max3A_513 = arith.maximumf %add3A_510, %add3A_512 : vector<1x128xf32>
      %sub3A_514 = arith.subf %add3A_510, %max3A_513 : vector<1x128xf32>
      %exp3A_515 = math.exp %sub3A_514 : vector<1x128xf32>
      %sub3A_516 = arith.subf %add3A_512, %max3A_513 : vector<1x128xf32>
      %exp3A_517 = math.exp %sub3A_516 : vector<1x128xf32>
      %add3A_518 = arith.addf %exp3A_515, %exp3A_517 : vector<1x128xf32>
      %log3A_519 = math.log %add3A_518 : vector<1x128xf32>
      %add3A_520 = arith.addf %max3A_513, %log3A_519 : vector<1x128xf32>
      %slice3A_521 = vector.extract_strided_slice %select_n3A_286 {offsets = [5, 0], sizes = [1, 128], strides = [1, 1]} : vector<96x128xf32> to vector<1x128xf32>
      %add3A_522 = arith.addf %slice3A_521, %add3A_520 : vector<1x128xf32>
      %slice3A_523 = vector.extract_strided_slice %select_n3A_286 {offsets = [13, 0], sizes = [1, 128], strides = [1, 1]} : vector<96x128xf32> to vector<1x128xf32>
      %add3A_524 = arith.addf %slice3A_523, %add3A_508 : vector<1x128xf32>
      %slice3A_525 = vector.extract_strided_slice %select_n3A_286 {offsets = [21, 0], sizes = [1, 128], strides = [1, 1]} : vector<96x128xf32> to vector<1x128xf32>
      %add3A_526 = arith.addf %slice3A_525, %broadcast_in_dim3A_288 : vector<1x128xf32>
      %max3A_527 = arith.maximumf %add3A_522, %add3A_524 : vector<1x128xf32>
      %max3A_528 = arith.maximumf %max3A_527, %add3A_526 : vector<1x128xf32>
      %sub3A_529 = arith.subf %add3A_522, %max3A_528 : vector<1x128xf32>
      %exp3A_530 = math.exp %sub3A_529 : vector<1x128xf32>
      %sub3A_531 = arith.subf %add3A_524, %max3A_528 : vector<1x128xf32>
      %exp3A_532 = math.exp %sub3A_531 : vector<1x128xf32>
      %add3A_533 = arith.addf %exp3A_530, %exp3A_532 : vector<1x128xf32>
      %sub3A_534 = arith.subf %add3A_526, %max3A_528 : vector<1x128xf32>
      %exp3A_535 = math.exp %sub3A_534 : vector<1x128xf32>
      %add3A_536 = arith.addf %add3A_533, %exp3A_535 : vector<1x128xf32>
      %log3A_537 = math.log %add3A_536 : vector<1x128xf32>
      %add3A_538 = arith.addf %max3A_528, %log3A_537 : vector<1x128xf32>
      %slice3A_539 = vector.extract_strided_slice %select_n3A_286 {offsets = [4, 0], sizes = [1, 128], strides = [1, 1]} : vector<96x128xf32> to vector<1x128xf32>
      %add3A_540 = arith.addf %slice3A_539, %add3A_538 : vector<1x128xf32>
      %slice3A_541 = vector.extract_strided_slice %select_n3A_286 {offsets = [12, 0], sizes = [1, 128], strides = [1, 1]} : vector<96x128xf32> to vector<1x128xf32>
      %add3A_542 = arith.addf %slice3A_541, %add3A_520 : vector<1x128xf32>
      %slice3A_543 = vector.extract_strided_slice %select_n3A_286 {offsets = [20, 0], sizes = [1, 128], strides = [1, 1]} : vector<96x128xf32> to vector<1x128xf32>
      %add3A_544 = arith.addf %slice3A_543, %add3A_508 : vector<1x128xf32>
      %slice3A_545 = vector.extract_strided_slice %select_n3A_286 {offsets = [28, 0], sizes = [1, 128], strides = [1, 1]} : vector<96x128xf32> to vector<1x128xf32>
      %add3A_546 = arith.addf %slice3A_545, %broadcast_in_dim3A_288 : vector<1x128xf32>
      %max3A_547 = arith.maximumf %add3A_540, %add3A_542 : vector<1x128xf32>
      %max3A_548 = arith.maximumf %max3A_547, %add3A_544 : vector<1x128xf32>
      %max3A_549 = arith.maximumf %max3A_548, %add3A_546 : vector<1x128xf32>
      %sub3A_550 = arith.subf %add3A_540, %max3A_549 : vector<1x128xf32>
      %exp3A_551 = math.exp %sub3A_550 : vector<1x128xf32>
      %sub3A_552 = arith.subf %add3A_542, %max3A_549 : vector<1x128xf32>
      %exp3A_553 = math.exp %sub3A_552 : vector<1x128xf32>
      %add3A_554 = arith.addf %exp3A_551, %exp3A_553 : vector<1x128xf32>
      %sub3A_555 = arith.subf %add3A_544, %max3A_549 : vector<1x128xf32>
      %exp3A_556 = math.exp %sub3A_555 : vector<1x128xf32>
      %add3A_557 = arith.addf %add3A_554, %exp3A_556 : vector<1x128xf32>
      %sub3A_558 = arith.subf %add3A_546, %max3A_549 : vector<1x128xf32>
      %exp3A_559 = math.exp %sub3A_558 : vector<1x128xf32>
      %add3A_560 = arith.addf %add3A_557, %exp3A_559 : vector<1x128xf32>
      %log3A_561 = math.log %add3A_560 : vector<1x128xf32>
      %add3A_562 = arith.addf %max3A_549, %log3A_561 : vector<1x128xf32>
      %slice3A_563 = vector.extract_strided_slice %select_n3A_286 {offsets = [3, 0], sizes = [1, 128], strides = [1, 1]} : vector<96x128xf32> to vector<1x128xf32>
      %add3A_564 = arith.addf %slice3A_563, %add3A_562 : vector<1x128xf32>
      %slice3A_565 = vector.extract_strided_slice %select_n3A_286 {offsets = [11, 0], sizes = [1, 128], strides = [1, 1]} : vector<96x128xf32> to vector<1x128xf32>
      %add3A_566 = arith.addf %slice3A_565, %add3A_538 : vector<1x128xf32>
      %slice3A_567 = vector.extract_strided_slice %select_n3A_286 {offsets = [19, 0], sizes = [1, 128], strides = [1, 1]} : vector<96x128xf32> to vector<1x128xf32>
      %add3A_568 = arith.addf %slice3A_567, %add3A_520 : vector<1x128xf32>
      %slice3A_569 = vector.extract_strided_slice %select_n3A_286 {offsets = [27, 0], sizes = [1, 128], strides = [1, 1]} : vector<96x128xf32> to vector<1x128xf32>
      %add3A_570 = arith.addf %slice3A_569, %add3A_508 : vector<1x128xf32>
      %slice3A_571 = vector.extract_strided_slice %select_n3A_286 {offsets = [35, 0], sizes = [1, 128], strides = [1, 1]} : vector<96x128xf32> to vector<1x128xf32>
      %add3A_572 = arith.addf %slice3A_571, %broadcast_in_dim3A_288 : vector<1x128xf32>
      %max3A_573 = arith.maximumf %add3A_564, %add3A_566 : vector<1x128xf32>
      %max3A_574 = arith.maximumf %max3A_573, %add3A_568 : vector<1x128xf32>
      %max3A_575 = arith.maximumf %max3A_574, %add3A_570 : vector<1x128xf32>
      %max3A_576 = arith.maximumf %max3A_575, %add3A_572 : vector<1x128xf32>
      %sub3A_577 = arith.subf %add3A_564, %max3A_576 : vector<1x128xf32>
      %exp3A_578 = math.exp %sub3A_577 : vector<1x128xf32>
      %sub3A_579 = arith.subf %add3A_566, %max3A_576 : vector<1x128xf32>
      %exp3A_580 = math.exp %sub3A_579 : vector<1x128xf32>
      %add3A_581 = arith.addf %exp3A_578, %exp3A_580 : vector<1x128xf32>
      %sub3A_582 = arith.subf %add3A_568, %max3A_576 : vector<1x128xf32>
      %exp3A_583 = math.exp %sub3A_582 : vector<1x128xf32>
      %add3A_584 = arith.addf %add3A_581, %exp3A_583 : vector<1x128xf32>
      %sub3A_585 = arith.subf %add3A_570, %max3A_576 : vector<1x128xf32>
      %exp3A_586 = math.exp %sub3A_585 : vector<1x128xf32>
      %add3A_587 = arith.addf %add3A_584, %exp3A_586 : vector<1x128xf32>
      %sub3A_588 = arith.subf %add3A_572, %max3A_576 : vector<1x128xf32>
      %exp3A_589 = math.exp %sub3A_588 : vector<1x128xf32>
      %add3A_590 = arith.addf %add3A_587, %exp3A_589 : vector<1x128xf32>
      %log3A_591 = math.log %add3A_590 : vector<1x128xf32>
      %add3A_592 = arith.addf %max3A_576, %log3A_591 : vector<1x128xf32>
      %slice3A_593 = vector.extract_strided_slice %select_n3A_286 {offsets = [2, 0], sizes = [1, 128], strides = [1, 1]} : vector<96x128xf32> to vector<1x128xf32>
      %add3A_594 = arith.addf %slice3A_593, %add3A_592 : vector<1x128xf32>
      %slice3A_595 = vector.extract_strided_slice %select_n3A_286 {offsets = [10, 0], sizes = [1, 128], strides = [1, 1]} : vector<96x128xf32> to vector<1x128xf32>
      %add3A_596 = arith.addf %slice3A_595, %add3A_562 : vector<1x128xf32>
      %slice3A_597 = vector.extract_strided_slice %select_n3A_286 {offsets = [18, 0], sizes = [1, 128], strides = [1, 1]} : vector<96x128xf32> to vector<1x128xf32>
      %add3A_598 = arith.addf %slice3A_597, %add3A_538 : vector<1x128xf32>
      %slice3A_599 = vector.extract_strided_slice %select_n3A_286 {offsets = [26, 0], sizes = [1, 128], strides = [1, 1]} : vector<96x128xf32> to vector<1x128xf32>
      %add3A_600 = arith.addf %slice3A_599, %add3A_520 : vector<1x128xf32>
      %slice3A_601 = vector.extract_strided_slice %select_n3A_286 {offsets = [34, 0], sizes = [1, 128], strides = [1, 1]} : vector<96x128xf32> to vector<1x128xf32>
      %add3A_602 = arith.addf %slice3A_601, %add3A_508 : vector<1x128xf32>
      %slice3A_603 = vector.extract_strided_slice %select_n3A_286 {offsets = [42, 0], sizes = [1, 128], strides = [1, 1]} : vector<96x128xf32> to vector<1x128xf32>
      %add3A_604 = arith.addf %slice3A_603, %broadcast_in_dim3A_288 : vector<1x128xf32>
      %max3A_605 = arith.maximumf %add3A_594, %add3A_596 : vector<1x128xf32>
      %max3A_606 = arith.maximumf %max3A_605, %add3A_598 : vector<1x128xf32>
      %max3A_607 = arith.maximumf %max3A_606, %add3A_600 : vector<1x128xf32>
      %max3A_608 = arith.maximumf %max3A_607, %add3A_602 : vector<1x128xf32>
      %max3A_609 = arith.maximumf %max3A_608, %add3A_604 : vector<1x128xf32>
      %sub3A_610 = arith.subf %add3A_594, %max3A_609 : vector<1x128xf32>
      %exp3A_611 = math.exp %sub3A_610 : vector<1x128xf32>
      %sub3A_612 = arith.subf %add3A_596, %max3A_609 : vector<1x128xf32>
      %exp3A_613 = math.exp %sub3A_612 : vector<1x128xf32>
      %add3A_614 = arith.addf %exp3A_611, %exp3A_613 : vector<1x128xf32>
      %sub3A_615 = arith.subf %add3A_598, %max3A_609 : vector<1x128xf32>
      %exp3A_616 = math.exp %sub3A_615 : vector<1x128xf32>
      %add3A_617 = arith.addf %add3A_614, %exp3A_616 : vector<1x128xf32>
      %sub3A_618 = arith.subf %add3A_600, %max3A_609 : vector<1x128xf32>
      %exp3A_619 = math.exp %sub3A_618 : vector<1x128xf32>
      %add3A_620 = arith.addf %add3A_617, %exp3A_619 : vector<1x128xf32>
      %sub3A_621 = arith.subf %add3A_602, %max3A_609 : vector<1x128xf32>
      %exp3A_622 = math.exp %sub3A_621 : vector<1x128xf32>
      %add3A_623 = arith.addf %add3A_620, %exp3A_622 : vector<1x128xf32>
      %sub3A_624 = arith.subf %add3A_604, %max3A_609 : vector<1x128xf32>
      %exp3A_625 = math.exp %sub3A_624 : vector<1x128xf32>
      %add3A_626 = arith.addf %add3A_623, %exp3A_625 : vector<1x128xf32>
      %log3A_627 = math.log %add3A_626 : vector<1x128xf32>
      %add3A_628 = arith.addf %max3A_609, %log3A_627 : vector<1x128xf32>
      %slice3A_629 = vector.extract_strided_slice %select_n3A_286 {offsets = [1, 0], sizes = [1, 128], strides = [1, 1]} : vector<96x128xf32> to vector<1x128xf32>
      %add3A_630 = arith.addf %slice3A_629, %add3A_628 : vector<1x128xf32>
      %slice3A_631 = vector.extract_strided_slice %select_n3A_286 {offsets = [9, 0], sizes = [1, 128], strides = [1, 1]} : vector<96x128xf32> to vector<1x128xf32>
      %add3A_632 = arith.addf %slice3A_631, %add3A_592 : vector<1x128xf32>
      %slice3A_633 = vector.extract_strided_slice %select_n3A_286 {offsets = [17, 0], sizes = [1, 128], strides = [1, 1]} : vector<96x128xf32> to vector<1x128xf32>
      %add3A_634 = arith.addf %slice3A_633, %add3A_562 : vector<1x128xf32>
      %slice3A_635 = vector.extract_strided_slice %select_n3A_286 {offsets = [25, 0], sizes = [1, 128], strides = [1, 1]} : vector<96x128xf32> to vector<1x128xf32>
      %add3A_636 = arith.addf %slice3A_635, %add3A_538 : vector<1x128xf32>
      %slice3A_637 = vector.extract_strided_slice %select_n3A_286 {offsets = [33, 0], sizes = [1, 128], strides = [1, 1]} : vector<96x128xf32> to vector<1x128xf32>
      %add3A_638 = arith.addf %slice3A_637, %add3A_520 : vector<1x128xf32>
      %slice3A_639 = vector.extract_strided_slice %select_n3A_286 {offsets = [41, 0], sizes = [1, 128], strides = [1, 1]} : vector<96x128xf32> to vector<1x128xf32>
      %add3A_640 = arith.addf %slice3A_639, %add3A_508 : vector<1x128xf32>
      %slice3A_641 = vector.extract_strided_slice %select_n3A_286 {offsets = [49, 0], sizes = [1, 128], strides = [1, 1]} : vector<96x128xf32> to vector<1x128xf32>
      %add3A_642 = arith.addf %slice3A_641, %broadcast_in_dim3A_288 : vector<1x128xf32>
      %max3A_643 = arith.maximumf %add3A_630, %add3A_632 : vector<1x128xf32>
      %max3A_644 = arith.maximumf %max3A_643, %add3A_634 : vector<1x128xf32>
      %max3A_645 = arith.maximumf %max3A_644, %add3A_636 : vector<1x128xf32>
      %max3A_646 = arith.maximumf %max3A_645, %add3A_638 : vector<1x128xf32>
      %max3A_647 = arith.maximumf %max3A_646, %add3A_640 : vector<1x128xf32>
      %max3A_648 = arith.maximumf %max3A_647, %add3A_642 : vector<1x128xf32>
      %sub3A_649 = arith.subf %add3A_630, %max3A_648 : vector<1x128xf32>
      %exp3A_650 = math.exp %sub3A_649 : vector<1x128xf32>
      %sub3A_651 = arith.subf %add3A_632, %max3A_648 : vector<1x128xf32>
      %exp3A_652 = math.exp %sub3A_651 : vector<1x128xf32>
      %add3A_653 = arith.addf %exp3A_650, %exp3A_652 : vector<1x128xf32>
      %sub3A_654 = arith.subf %add3A_634, %max3A_648 : vector<1x128xf32>
      %exp3A_655 = math.exp %sub3A_654 : vector<1x128xf32>
      %add3A_656 = arith.addf %add3A_653, %exp3A_655 : vector<1x128xf32>
      %sub3A_657 = arith.subf %add3A_636, %max3A_648 : vector<1x128xf32>
      %exp3A_658 = math.exp %sub3A_657 : vector<1x128xf32>
      %add3A_659 = arith.addf %add3A_656, %exp3A_658 : vector<1x128xf32>
      %sub3A_660 = arith.subf %add3A_638, %max3A_648 : vector<1x128xf32>
      %exp3A_661 = math.exp %sub3A_660 : vector<1x128xf32>
      %add3A_662 = arith.addf %add3A_659, %exp3A_661 : vector<1x128xf32>
      %sub3A_663 = arith.subf %add3A_640, %max3A_648 : vector<1x128xf32>
      %exp3A_664 = math.exp %sub3A_663 : vector<1x128xf32>
      %add3A_665 = arith.addf %add3A_662, %exp3A_664 : vector<1x128xf32>
      %sub3A_666 = arith.subf %add3A_642, %max3A_648 : vector<1x128xf32>
      %exp3A_667 = math.exp %sub3A_666 : vector<1x128xf32>
      %add3A_668 = arith.addf %add3A_665, %exp3A_667 : vector<1x128xf32>
      %log3A_669 = math.log %add3A_668 : vector<1x128xf32>
      %add3A_670 = arith.addf %max3A_648, %log3A_669 : vector<1x128xf32>
      %slice3A_671 = vector.extract_strided_slice %select_n3A_286 {offsets = [0, 0], sizes = [1, 128], strides = [1, 1]} : vector<96x128xf32> to vector<1x128xf32>
      %add3A_672 = arith.addf %broadcast_in_dim3A_288, %slice3A_671 : vector<1x128xf32>
      %add3A_673 = arith.addf %add3A_672, %add3A_670 : vector<1x128xf32>
      %sub3A_674 = arith.subf %add3A_673, %add3A_502 : vector<1x128xf32>
      %exp3A_675 = math.exp %sub3A_674 : vector<1x128xf32>
      %mul3A_676 = arith.mulf %exp3A_675, %slice3A_671 : vector<1x128xf32>
      %add3A_677 = arith.addf %broadcast_in_dim3A_288, %mul3A_676 : vector<1x128xf32>
      %slice3A_678 = vector.extract_strided_slice %select_n3A_286 {offsets = [1, 0], sizes = [1, 128], strides = [1, 1]} : vector<96x128xf32> to vector<1x128xf32>
      %add3A_679 = arith.addf %add3A_293, %slice3A_678 : vector<1x128xf32>
      %add3A_680 = arith.addf %add3A_679, %add3A_628 : vector<1x128xf32>
      %sub3A_681 = arith.subf %add3A_680, %add3A_502 : vector<1x128xf32>
      %exp3A_682 = math.exp %sub3A_681 : vector<1x128xf32>
      %mul3A_683 = arith.mulf %exp3A_682, %slice3A_678 : vector<1x128xf32>
      %add3A_684 = arith.addf %add3A_677, %mul3A_683 : vector<1x128xf32>
      %slice3A_685 = vector.extract_strided_slice %select_n3A_286 {offsets = [2, 0], sizes = [1, 128], strides = [1, 1]} : vector<96x128xf32> to vector<1x128xf32>
      %add3A_686 = arith.addf %add3A_304, %slice3A_685 : vector<1x128xf32>
      %add3A_687 = arith.addf %add3A_686, %add3A_592 : vector<1x128xf32>
      %sub3A_688 = arith.subf %add3A_687, %add3A_502 : vector<1x128xf32>
      %exp3A_689 = math.exp %sub3A_688 : vector<1x128xf32>
      %mul3A_690 = arith.mulf %exp3A_689, %slice3A_685 : vector<1x128xf32>
      %add3A_691 = arith.addf %add3A_684, %mul3A_690 : vector<1x128xf32>
      %slice3A_692 = vector.extract_strided_slice %select_n3A_286 {offsets = [3, 0], sizes = [1, 128], strides = [1, 1]} : vector<96x128xf32> to vector<1x128xf32>
      %add3A_693 = arith.addf %add3A_322, %slice3A_692 : vector<1x128xf32>
      %add3A_694 = arith.addf %add3A_693, %add3A_562 : vector<1x128xf32>
      %sub3A_695 = arith.subf %add3A_694, %add3A_502 : vector<1x128xf32>
      %exp3A_696 = math.exp %sub3A_695 : vector<1x128xf32>
      %mul3A_697 = arith.mulf %exp3A_696, %slice3A_692 : vector<1x128xf32>
      %add3A_698 = arith.addf %add3A_691, %mul3A_697 : vector<1x128xf32>
      %slice3A_699 = vector.extract_strided_slice %select_n3A_286 {offsets = [4, 0], sizes = [1, 128], strides = [1, 1]} : vector<96x128xf32> to vector<1x128xf32>
      %add3A_700 = arith.addf %add3A_346, %slice3A_699 : vector<1x128xf32>
      %add3A_701 = arith.addf %add3A_700, %add3A_538 : vector<1x128xf32>
      %sub3A_702 = arith.subf %add3A_701, %add3A_502 : vector<1x128xf32>
      %exp3A_703 = math.exp %sub3A_702 : vector<1x128xf32>
      %mul3A_704 = arith.mulf %exp3A_703, %slice3A_699 : vector<1x128xf32>
      %add3A_705 = arith.addf %add3A_698, %mul3A_704 : vector<1x128xf32>
      %slice3A_706 = vector.extract_strided_slice %select_n3A_286 {offsets = [5, 0], sizes = [1, 128], strides = [1, 1]} : vector<96x128xf32> to vector<1x128xf32>
      %add3A_707 = arith.addf %add3A_376, %slice3A_706 : vector<1x128xf32>
      %add3A_708 = arith.addf %add3A_707, %add3A_520 : vector<1x128xf32>
      %sub3A_709 = arith.subf %add3A_708, %add3A_502 : vector<1x128xf32>
      %exp3A_710 = math.exp %sub3A_709 : vector<1x128xf32>
      %mul3A_711 = arith.mulf %exp3A_710, %slice3A_706 : vector<1x128xf32>
      %add3A_712 = arith.addf %add3A_705, %mul3A_711 : vector<1x128xf32>
      %slice3A_713 = vector.extract_strided_slice %select_n3A_286 {offsets = [6, 0], sizes = [1, 128], strides = [1, 1]} : vector<96x128xf32> to vector<1x128xf32>
      %add3A_714 = arith.addf %add3A_412, %slice3A_713 : vector<1x128xf32>
      %add3A_715 = arith.addf %add3A_714, %add3A_508 : vector<1x128xf32>
      %sub3A_716 = arith.subf %add3A_715, %add3A_502 : vector<1x128xf32>
      %exp3A_717 = math.exp %sub3A_716 : vector<1x128xf32>
      %mul3A_718 = arith.mulf %exp3A_717, %slice3A_713 : vector<1x128xf32>
      %add3A_719 = arith.addf %add3A_712, %mul3A_718 : vector<1x128xf32>
      %slice3A_720 = vector.extract_strided_slice %select_n3A_286 {offsets = [7, 0], sizes = [1, 128], strides = [1, 1]} : vector<96x128xf32> to vector<1x128xf32>
      %add3A_721 = arith.addf %add3A_454, %slice3A_720 : vector<1x128xf32>
      %add3A_722 = arith.addf %add3A_721, %broadcast_in_dim3A_288 : vector<1x128xf32>
      %sub3A_723 = arith.subf %add3A_722, %add3A_502 : vector<1x128xf32>
      %exp3A_724 = math.exp %sub3A_723 : vector<1x128xf32>
      %mul3A_725 = arith.mulf %exp3A_724, %slice3A_720 : vector<1x128xf32>
      %add3A_726 = arith.addf %add3A_719, %mul3A_725 : vector<1x128xf32>
      %slice3A_727 = vector.extract_strided_slice %select_n3A_286 {offsets = [8, 0], sizes = [1, 128], strides = [1, 1]} : vector<96x128xf32> to vector<1x128xf32>
      %add3A_728 = arith.addf %broadcast_in_dim3A_288, %slice3A_727 : vector<1x128xf32>
      %add3A_729 = arith.addf %add3A_728, %add3A_628 : vector<1x128xf32>
      %sub3A_730 = arith.subf %add3A_729, %add3A_502 : vector<1x128xf32>
      %exp3A_731 = math.exp %sub3A_730 : vector<1x128xf32>
      %mul3A_732 = arith.mulf %exp3A_731, %slice3A_727 : vector<1x128xf32>
      %add3A_733 = arith.addf %add3A_726, %mul3A_732 : vector<1x128xf32>
      %slice3A_734 = vector.extract_strided_slice %select_n3A_286 {offsets = [9, 0], sizes = [1, 128], strides = [1, 1]} : vector<96x128xf32> to vector<1x128xf32>
      %add3A_735 = arith.addf %add3A_293, %slice3A_734 : vector<1x128xf32>
      %add3A_736 = arith.addf %add3A_735, %add3A_592 : vector<1x128xf32>
      %sub3A_737 = arith.subf %add3A_736, %add3A_502 : vector<1x128xf32>
      %exp3A_738 = math.exp %sub3A_737 : vector<1x128xf32>
      %mul3A_739 = arith.mulf %exp3A_738, %slice3A_734 : vector<1x128xf32>
      %add3A_740 = arith.addf %add3A_733, %mul3A_739 : vector<1x128xf32>
      %slice3A_741 = vector.extract_strided_slice %select_n3A_286 {offsets = [10, 0], sizes = [1, 128], strides = [1, 1]} : vector<96x128xf32> to vector<1x128xf32>
      %add3A_742 = arith.addf %add3A_304, %slice3A_741 : vector<1x128xf32>
      %add3A_743 = arith.addf %add3A_742, %add3A_562 : vector<1x128xf32>
      %sub3A_744 = arith.subf %add3A_743, %add3A_502 : vector<1x128xf32>
      %exp3A_745 = math.exp %sub3A_744 : vector<1x128xf32>
      %mul3A_746 = arith.mulf %exp3A_745, %slice3A_741 : vector<1x128xf32>
      %add3A_747 = arith.addf %add3A_740, %mul3A_746 : vector<1x128xf32>
      %slice3A_748 = vector.extract_strided_slice %select_n3A_286 {offsets = [11, 0], sizes = [1, 128], strides = [1, 1]} : vector<96x128xf32> to vector<1x128xf32>
      %add3A_749 = arith.addf %add3A_322, %slice3A_748 : vector<1x128xf32>
      %add3A_750 = arith.addf %add3A_749, %add3A_538 : vector<1x128xf32>
      %sub3A_751 = arith.subf %add3A_750, %add3A_502 : vector<1x128xf32>
      %exp3A_752 = math.exp %sub3A_751 : vector<1x128xf32>
      %mul3A_753 = arith.mulf %exp3A_752, %slice3A_748 : vector<1x128xf32>
      %add3A_754 = arith.addf %add3A_747, %mul3A_753 : vector<1x128xf32>
      %slice3A_755 = vector.extract_strided_slice %select_n3A_286 {offsets = [12, 0], sizes = [1, 128], strides = [1, 1]} : vector<96x128xf32> to vector<1x128xf32>
      %add3A_756 = arith.addf %add3A_346, %slice3A_755 : vector<1x128xf32>
      %add3A_757 = arith.addf %add3A_756, %add3A_520 : vector<1x128xf32>
      %sub3A_758 = arith.subf %add3A_757, %add3A_502 : vector<1x128xf32>
      %exp3A_759 = math.exp %sub3A_758 : vector<1x128xf32>
      %mul3A_760 = arith.mulf %exp3A_759, %slice3A_755 : vector<1x128xf32>
      %add3A_761 = arith.addf %add3A_754, %mul3A_760 : vector<1x128xf32>
      %slice3A_762 = vector.extract_strided_slice %select_n3A_286 {offsets = [13, 0], sizes = [1, 128], strides = [1, 1]} : vector<96x128xf32> to vector<1x128xf32>
      %add3A_763 = arith.addf %add3A_376, %slice3A_762 : vector<1x128xf32>
      %add3A_764 = arith.addf %add3A_763, %add3A_508 : vector<1x128xf32>
      %sub3A_765 = arith.subf %add3A_764, %add3A_502 : vector<1x128xf32>
      %exp3A_766 = math.exp %sub3A_765 : vector<1x128xf32>
      %mul3A_767 = arith.mulf %exp3A_766, %slice3A_762 : vector<1x128xf32>
      %add3A_768 = arith.addf %add3A_761, %mul3A_767 : vector<1x128xf32>
      %slice3A_769 = vector.extract_strided_slice %select_n3A_286 {offsets = [14, 0], sizes = [1, 128], strides = [1, 1]} : vector<96x128xf32> to vector<1x128xf32>
      %add3A_770 = arith.addf %add3A_412, %slice3A_769 : vector<1x128xf32>
      %add3A_771 = arith.addf %add3A_770, %broadcast_in_dim3A_288 : vector<1x128xf32>
      %sub3A_772 = arith.subf %add3A_771, %add3A_502 : vector<1x128xf32>
      %exp3A_773 = math.exp %sub3A_772 : vector<1x128xf32>
      %mul3A_774 = arith.mulf %exp3A_773, %slice3A_769 : vector<1x128xf32>
      %add3A_775 = arith.addf %add3A_768, %mul3A_774 : vector<1x128xf32>
      %slice3A_776 = vector.extract_strided_slice %select_n3A_286 {offsets = [16, 0], sizes = [1, 128], strides = [1, 1]} : vector<96x128xf32> to vector<1x128xf32>
      %add3A_777 = arith.addf %broadcast_in_dim3A_288, %slice3A_776 : vector<1x128xf32>
      %add3A_778 = arith.addf %add3A_777, %add3A_592 : vector<1x128xf32>
      %sub3A_779 = arith.subf %add3A_778, %add3A_502 : vector<1x128xf32>
      %exp3A_780 = math.exp %sub3A_779 : vector<1x128xf32>
      %mul3A_781 = arith.mulf %exp3A_780, %slice3A_776 : vector<1x128xf32>
      %add3A_782 = arith.addf %add3A_775, %mul3A_781 : vector<1x128xf32>
      %slice3A_783 = vector.extract_strided_slice %select_n3A_286 {offsets = [17, 0], sizes = [1, 128], strides = [1, 1]} : vector<96x128xf32> to vector<1x128xf32>
      %add3A_784 = arith.addf %add3A_293, %slice3A_783 : vector<1x128xf32>
      %add3A_785 = arith.addf %add3A_784, %add3A_562 : vector<1x128xf32>
      %sub3A_786 = arith.subf %add3A_785, %add3A_502 : vector<1x128xf32>
      %exp3A_787 = math.exp %sub3A_786 : vector<1x128xf32>
      %mul3A_788 = arith.mulf %exp3A_787, %slice3A_783 : vector<1x128xf32>
      %add3A_789 = arith.addf %add3A_782, %mul3A_788 : vector<1x128xf32>
      %slice3A_790 = vector.extract_strided_slice %select_n3A_286 {offsets = [18, 0], sizes = [1, 128], strides = [1, 1]} : vector<96x128xf32> to vector<1x128xf32>
      %add3A_791 = arith.addf %add3A_304, %slice3A_790 : vector<1x128xf32>
      %add3A_792 = arith.addf %add3A_791, %add3A_538 : vector<1x128xf32>
      %sub3A_793 = arith.subf %add3A_792, %add3A_502 : vector<1x128xf32>
      %exp3A_794 = math.exp %sub3A_793 : vector<1x128xf32>
      %mul3A_795 = arith.mulf %exp3A_794, %slice3A_790 : vector<1x128xf32>
      %add3A_796 = arith.addf %add3A_789, %mul3A_795 : vector<1x128xf32>
      %slice3A_797 = vector.extract_strided_slice %select_n3A_286 {offsets = [19, 0], sizes = [1, 128], strides = [1, 1]} : vector<96x128xf32> to vector<1x128xf32>
      %add3A_798 = arith.addf %add3A_322, %slice3A_797 : vector<1x128xf32>
      %add3A_799 = arith.addf %add3A_798, %add3A_520 : vector<1x128xf32>
      %sub3A_800 = arith.subf %add3A_799, %add3A_502 : vector<1x128xf32>
      %exp3A_801 = math.exp %sub3A_800 : vector<1x128xf32>
      %mul3A_802 = arith.mulf %exp3A_801, %slice3A_797 : vector<1x128xf32>
      %add3A_803 = arith.addf %add3A_796, %mul3A_802 : vector<1x128xf32>
      %slice3A_804 = vector.extract_strided_slice %select_n3A_286 {offsets = [20, 0], sizes = [1, 128], strides = [1, 1]} : vector<96x128xf32> to vector<1x128xf32>
      %add3A_805 = arith.addf %add3A_346, %slice3A_804 : vector<1x128xf32>
      %add3A_806 = arith.addf %add3A_805, %add3A_508 : vector<1x128xf32>
      %sub3A_807 = arith.subf %add3A_806, %add3A_502 : vector<1x128xf32>
      %exp3A_808 = math.exp %sub3A_807 : vector<1x128xf32>
      %mul3A_809 = arith.mulf %exp3A_808, %slice3A_804 : vector<1x128xf32>
      %add3A_810 = arith.addf %add3A_803, %mul3A_809 : vector<1x128xf32>
      %slice3A_811 = vector.extract_strided_slice %select_n3A_286 {offsets = [21, 0], sizes = [1, 128], strides = [1, 1]} : vector<96x128xf32> to vector<1x128xf32>
      %add3A_812 = arith.addf %add3A_376, %slice3A_811 : vector<1x128xf32>
      %add3A_813 = arith.addf %add3A_812, %broadcast_in_dim3A_288 : vector<1x128xf32>
      %sub3A_814 = arith.subf %add3A_813, %add3A_502 : vector<1x128xf32>
      %exp3A_815 = math.exp %sub3A_814 : vector<1x128xf32>
      %mul3A_816 = arith.mulf %exp3A_815, %slice3A_811 : vector<1x128xf32>
      %add3A_817 = arith.addf %add3A_810, %mul3A_816 : vector<1x128xf32>
      %slice3A_818 = vector.extract_strided_slice %select_n3A_286 {offsets = [24, 0], sizes = [1, 128], strides = [1, 1]} : vector<96x128xf32> to vector<1x128xf32>
      %add3A_819 = arith.addf %broadcast_in_dim3A_288, %slice3A_818 : vector<1x128xf32>
      %add3A_820 = arith.addf %add3A_819, %add3A_562 : vector<1x128xf32>
      %sub3A_821 = arith.subf %add3A_820, %add3A_502 : vector<1x128xf32>
      %exp3A_822 = math.exp %sub3A_821 : vector<1x128xf32>
      %mul3A_823 = arith.mulf %exp3A_822, %slice3A_818 : vector<1x128xf32>
      %add3A_824 = arith.addf %add3A_817, %mul3A_823 : vector<1x128xf32>
      %slice3A_825 = vector.extract_strided_slice %select_n3A_286 {offsets = [25, 0], sizes = [1, 128], strides = [1, 1]} : vector<96x128xf32> to vector<1x128xf32>
      %add3A_826 = arith.addf %add3A_293, %slice3A_825 : vector<1x128xf32>
      %add3A_827 = arith.addf %add3A_826, %add3A_538 : vector<1x128xf32>
      %sub3A_828 = arith.subf %add3A_827, %add3A_502 : vector<1x128xf32>
      %exp3A_829 = math.exp %sub3A_828 : vector<1x128xf32>
      %mul3A_830 = arith.mulf %exp3A_829, %slice3A_825 : vector<1x128xf32>
      %add3A_831 = arith.addf %add3A_824, %mul3A_830 : vector<1x128xf32>
      %slice3A_832 = vector.extract_strided_slice %select_n3A_286 {offsets = [26, 0], sizes = [1, 128], strides = [1, 1]} : vector<96x128xf32> to vector<1x128xf32>
      %add3A_833 = arith.addf %add3A_304, %slice3A_832 : vector<1x128xf32>
      %add3A_834 = arith.addf %add3A_833, %add3A_520 : vector<1x128xf32>
      %sub3A_835 = arith.subf %add3A_834, %add3A_502 : vector<1x128xf32>
      %exp3A_836 = math.exp %sub3A_835 : vector<1x128xf32>
      %mul3A_837 = arith.mulf %exp3A_836, %slice3A_832 : vector<1x128xf32>
      %add3A_838 = arith.addf %add3A_831, %mul3A_837 : vector<1x128xf32>
      %slice3A_839 = vector.extract_strided_slice %select_n3A_286 {offsets = [27, 0], sizes = [1, 128], strides = [1, 1]} : vector<96x128xf32> to vector<1x128xf32>
      %add3A_840 = arith.addf %add3A_322, %slice3A_839 : vector<1x128xf32>
      %add3A_841 = arith.addf %add3A_840, %add3A_508 : vector<1x128xf32>
      %sub3A_842 = arith.subf %add3A_841, %add3A_502 : vector<1x128xf32>
      %exp3A_843 = math.exp %sub3A_842 : vector<1x128xf32>
      %mul3A_844 = arith.mulf %exp3A_843, %slice3A_839 : vector<1x128xf32>
      %add3A_845 = arith.addf %add3A_838, %mul3A_844 : vector<1x128xf32>
      %slice3A_846 = vector.extract_strided_slice %select_n3A_286 {offsets = [28, 0], sizes = [1, 128], strides = [1, 1]} : vector<96x128xf32> to vector<1x128xf32>
      %add3A_847 = arith.addf %add3A_346, %slice3A_846 : vector<1x128xf32>
      %add3A_848 = arith.addf %add3A_847, %broadcast_in_dim3A_288 : vector<1x128xf32>
      %sub3A_849 = arith.subf %add3A_848, %add3A_502 : vector<1x128xf32>
      %exp3A_850 = math.exp %sub3A_849 : vector<1x128xf32>
      %mul3A_851 = arith.mulf %exp3A_850, %slice3A_846 : vector<1x128xf32>
      %add3A_852 = arith.addf %add3A_845, %mul3A_851 : vector<1x128xf32>
      %slice3A_853 = vector.extract_strided_slice %select_n3A_286 {offsets = [32, 0], sizes = [1, 128], strides = [1, 1]} : vector<96x128xf32> to vector<1x128xf32>
      %add3A_854 = arith.addf %broadcast_in_dim3A_288, %slice3A_853 : vector<1x128xf32>
      %add3A_855 = arith.addf %add3A_854, %add3A_538 : vector<1x128xf32>
      %sub3A_856 = arith.subf %add3A_855, %add3A_502 : vector<1x128xf32>
      %exp3A_857 = math.exp %sub3A_856 : vector<1x128xf32>
      %mul3A_858 = arith.mulf %exp3A_857, %slice3A_853 : vector<1x128xf32>
      %add3A_859 = arith.addf %add3A_852, %mul3A_858 : vector<1x128xf32>
      %slice3A_860 = vector.extract_strided_slice %select_n3A_286 {offsets = [33, 0], sizes = [1, 128], strides = [1, 1]} : vector<96x128xf32> to vector<1x128xf32>
      %add3A_861 = arith.addf %add3A_293, %slice3A_860 : vector<1x128xf32>
      %add3A_862 = arith.addf %add3A_861, %add3A_520 : vector<1x128xf32>
      %sub3A_863 = arith.subf %add3A_862, %add3A_502 : vector<1x128xf32>
      %exp3A_864 = math.exp %sub3A_863 : vector<1x128xf32>
      %mul3A_865 = arith.mulf %exp3A_864, %slice3A_860 : vector<1x128xf32>
      %add3A_866 = arith.addf %add3A_859, %mul3A_865 : vector<1x128xf32>
      %slice3A_867 = vector.extract_strided_slice %select_n3A_286 {offsets = [34, 0], sizes = [1, 128], strides = [1, 1]} : vector<96x128xf32> to vector<1x128xf32>
      %add3A_868 = arith.addf %add3A_304, %slice3A_867 : vector<1x128xf32>
      %add3A_869 = arith.addf %add3A_868, %add3A_508 : vector<1x128xf32>
      %sub3A_870 = arith.subf %add3A_869, %add3A_502 : vector<1x128xf32>
      %exp3A_871 = math.exp %sub3A_870 : vector<1x128xf32>
      %mul3A_872 = arith.mulf %exp3A_871, %slice3A_867 : vector<1x128xf32>
      %add3A_873 = arith.addf %add3A_866, %mul3A_872 : vector<1x128xf32>
      %slice3A_874 = vector.extract_strided_slice %select_n3A_286 {offsets = [35, 0], sizes = [1, 128], strides = [1, 1]} : vector<96x128xf32> to vector<1x128xf32>
      %add3A_875 = arith.addf %add3A_322, %slice3A_874 : vector<1x128xf32>
      %add3A_876 = arith.addf %add3A_875, %broadcast_in_dim3A_288 : vector<1x128xf32>
      %sub3A_877 = arith.subf %add3A_876, %add3A_502 : vector<1x128xf32>
      %exp3A_878 = math.exp %sub3A_877 : vector<1x128xf32>
      %mul3A_879 = arith.mulf %exp3A_878, %slice3A_874 : vector<1x128xf32>
      %add3A_880 = arith.addf %add3A_873, %mul3A_879 : vector<1x128xf32>
      %slice3A_881 = vector.extract_strided_slice %select_n3A_286 {offsets = [40, 0], sizes = [1, 128], strides = [1, 1]} : vector<96x128xf32> to vector<1x128xf32>
      %add3A_882 = arith.addf %broadcast_in_dim3A_288, %slice3A_881 : vector<1x128xf32>
      %add3A_883 = arith.addf %add3A_882, %add3A_520 : vector<1x128xf32>
      %sub3A_884 = arith.subf %add3A_883, %add3A_502 : vector<1x128xf32>
      %exp3A_885 = math.exp %sub3A_884 : vector<1x128xf32>
      %mul3A_886 = arith.mulf %exp3A_885, %slice3A_881 : vector<1x128xf32>
      %add3A_887 = arith.addf %add3A_880, %mul3A_886 : vector<1x128xf32>
      %slice3A_888 = vector.extract_strided_slice %select_n3A_286 {offsets = [41, 0], sizes = [1, 128], strides = [1, 1]} : vector<96x128xf32> to vector<1x128xf32>
      %add3A_889 = arith.addf %add3A_293, %slice3A_888 : vector<1x128xf32>
      %add3A_890 = arith.addf %add3A_889, %add3A_508 : vector<1x128xf32>
      %sub3A_891 = arith.subf %add3A_890, %add3A_502 : vector<1x128xf32>
      %exp3A_892 = math.exp %sub3A_891 : vector<1x128xf32>
      %mul3A_893 = arith.mulf %exp3A_892, %slice3A_888 : vector<1x128xf32>
      %add3A_894 = arith.addf %add3A_887, %mul3A_893 : vector<1x128xf32>
      %slice3A_895 = vector.extract_strided_slice %select_n3A_286 {offsets = [42, 0], sizes = [1, 128], strides = [1, 1]} : vector<96x128xf32> to vector<1x128xf32>
      %add3A_896 = arith.addf %add3A_304, %slice3A_895 : vector<1x128xf32>
      %add3A_897 = arith.addf %add3A_896, %broadcast_in_dim3A_288 : vector<1x128xf32>
      %sub3A_898 = arith.subf %add3A_897, %add3A_502 : vector<1x128xf32>
      %exp3A_899 = math.exp %sub3A_898 : vector<1x128xf32>
      %mul3A_900 = arith.mulf %exp3A_899, %slice3A_895 : vector<1x128xf32>
      %add3A_901 = arith.addf %add3A_894, %mul3A_900 : vector<1x128xf32>
      %slice3A_902 = vector.extract_strided_slice %select_n3A_286 {offsets = [48, 0], sizes = [1, 128], strides = [1, 1]} : vector<96x128xf32> to vector<1x128xf32>
      %add3A_903 = arith.addf %broadcast_in_dim3A_288, %slice3A_902 : vector<1x128xf32>
      %add3A_904 = arith.addf %add3A_903, %add3A_508 : vector<1x128xf32>
      %sub3A_905 = arith.subf %add3A_904, %add3A_502 : vector<1x128xf32>
      %exp3A_906 = math.exp %sub3A_905 : vector<1x128xf32>
      %mul3A_907 = arith.mulf %exp3A_906, %slice3A_902 : vector<1x128xf32>
      %add3A_908 = arith.addf %add3A_901, %mul3A_907 : vector<1x128xf32>
      %slice3A_909 = vector.extract_strided_slice %select_n3A_286 {offsets = [49, 0], sizes = [1, 128], strides = [1, 1]} : vector<96x128xf32> to vector<1x128xf32>
      %add3A_910 = arith.addf %add3A_293, %slice3A_909 : vector<1x128xf32>
      %add3A_911 = arith.addf %add3A_910, %broadcast_in_dim3A_288 : vector<1x128xf32>
      %sub3A_912 = arith.subf %add3A_911, %add3A_502 : vector<1x128xf32>
      %exp3A_913 = math.exp %sub3A_912 : vector<1x128xf32>
      %mul3A_914 = arith.mulf %exp3A_913, %slice3A_909 : vector<1x128xf32>
      %add3A_915 = arith.addf %add3A_908, %mul3A_914 : vector<1x128xf32>
      %slice3A_916 = vector.extract_strided_slice %select_n3A_286 {offsets = [56, 0], sizes = [1, 128], strides = [1, 1]} : vector<96x128xf32> to vector<1x128xf32>
      %add3A_917 = arith.addf %broadcast_in_dim3A_288, %slice3A_916 : vector<1x128xf32>
      %add3A_918 = arith.addf %add3A_917, %broadcast_in_dim3A_288 : vector<1x128xf32>
      %sub3A_919 = arith.subf %add3A_918, %add3A_502 : vector<1x128xf32>
      %exp3A_920 = math.exp %sub3A_919 : vector<1x128xf32>
      %mul3A_921 = arith.mulf %exp3A_920, %slice3A_916 : vector<1x128xf32>
      %add3A_922 = arith.addf %add3A_915, %mul3A_921 : vector<1x128xf32>
      %sub3A_923 = arith.subf %add3A_502, %add3A_922 : vector<1x128xf32>
      %eq3A_924 = arith.constant 0 : i32
      %eq3A_925 = vector.broadcast %eq3A_924 : i32 to vector<8x1536xi32>
      %eq3A_926 = arith.cmpi eq, %select_n3A_148, %eq3A_925 : vector<8x1536xi32>
      %jit3A_927 = arith.constant 0.000000e+00 : f32
      %broadcast_in_dim3A_928 = vector.broadcast %jit3A_927 : f32 to vector<8x1536xf32>
      %select_n3A_929 = arith.select %eq3A_926, %convert_element_type3A_196, %broadcast_in_dim3A_928 : vector<8x1536xi1>, vector<8x1536xf32>
      %reduce_sum3A_930 = vector.shape_cast %select_n3A_929 : vector<8x1536xf32> to vector<1x8x1536xf32>
      %reduce_sum3A_931 = arith.constant dense<0.000000e+00> : vector<1xf32>
      %reduce_sum3A_932 = vector.multi_reduction <add>, %reduce_sum3A_930, %reduce_sum3A_931 [1, 2] : vector<1x8x1536xf32> to vector<1xf32>
      %reduce_sum3A_933 = vector.shape_cast %reduce_sum3A_932 : vector<1xf32> to vector<1x1x1xf32>
      %reduce_sum3A_934 = vector.extract %reduce_sum3A_933[0, 0, 0] : f32 from vector<1x1x1xf32>
      %reduce_sum3A_935 = vector.shape_cast %sub3A_923 : vector<1x128xf32> to vector<1x1x128xf32>
      %reduce_sum3A_936 = arith.constant dense<0.000000e+00> : vector<1xf32>
      %reduce_sum3A_937 = vector.multi_reduction <add>, %reduce_sum3A_935, %reduce_sum3A_936 [1, 2] : vector<1x1x128xf32> to vector<1xf32>
      %reduce_sum3A_938 = vector.shape_cast %reduce_sum3A_937 : vector<1xf32> to vector<1x1x1xf32>
      %reduce_sum3A_939 = vector.extract %reduce_sum3A_938[0, 0, 0] : f32 from vector<1x1x1xf32>
      %div3A_940 = arith.divf %reduce_sum3A_939, %reduce_sum3A_934 : f32
      %reshape3A = vector.broadcast %div3A_940 : f32 to vector<1x1xf32>
      %swap3A_941 = arith.constant 0 : index
      %swap3A_942 = arith.constant 0 : index
      %swap3A_943 = vector.load %arg12[%swap3A_941, %swap3A_942] : memref<1x1xf32, #tpu.memory_space<vmem>>, vector<1x1xf32>
      tpu.vector_store %arg12[%swap3A_941, %swap3A_942], %reshape3A {strides = array<i32>} : memref<1x1xf32, #tpu.memory_space<vmem>>, vector<1x1xf32>,
    } else {
    }
    %get3A = arith.index_cast %arg0 : i32 to index
    %get3A_4 = arith.constant 0 : index
    %get3A_5 = vector.load %arg7[%get3A, %get3A_4] : memref<8x1536xf32, #tpu.memory_space<vmem>>, vector<1x1536xf32>
    %mul3A = arith.constant 768 : i32
    %mul3A_6 = arith.muli %arg1, %mul3A : i32
    %get3A_7 = arith.index_cast %arg0 : i32 to index
    %get3A_8 = arith.index_cast %mul3A_6 : i32 to index
    %get3A_9 = vector.load %arg9[%get3A_7, %get3A_8] : memref<8x1536xi32, #tpu.memory_space<vmem>>, vector<1x768xi32>
    %transpose3A = tpu.transpose %get3A_9, [1, 0] : vector<1x768xi32> -> vector<768x1xi32>
    %ne3A = arith.constant 0 : i32
    %ne3A_10 = vector.broadcast %ne3A : i32 to vector<768x1xi32>
    %ne3A_11 = arith.cmpi ne, %transpose3A, %ne3A_10 : vector<768x1xi32>
    %jit3A = arith.constant -1.000000e+04 : f32
    %broadcast_in_dim3A = vector.shape_cast %ne3A_11 : vector<768x1xi1> to vector<768x1xi1>
    %broadcast_in_dim3A_12 = vector.broadcast %broadcast_in_dim3A : vector<768x1xi1> to vector<768x1536xi1>
    %broadcast_in_dim3A_13 = vector.shape_cast %get3A_5 : vector<1x1536xf32> to vector<1x1536xf32>
    %broadcast_in_dim3A_14 = vector.broadcast %broadcast_in_dim3A_13 : vector<1x1536xf32> to vector<768x1536xf32>
    %broadcast_in_dim3A_15 = vector.broadcast %jit3A : f32 to vector<768x1536xf32>
    %select_n3A = arith.select %broadcast_in_dim3A_12, %broadcast_in_dim3A_14, %broadcast_in_dim3A_15 : vector<768x1536xi1>, vector<768x1536xf32>
    %swap3A = arith.constant 0 : index
    %swap3A_16 = arith.constant 0 : index
    %swap3A_17 = arith.constant 0 : index
    %swap3A_18 = vector.load %arg13[%swap3A, %swap3A_16, %swap3A_17] : memref<1x768x1536xf32, #tpu.memory_space<vmem>>, vector<1x768x1536xf32>
    %swap3A_19 = vector.shape_cast %swap3A_18 : vector<1x768x1536xf32> to vector<768x1536xf32>
    %swap3A_20 = vector.shape_cast %select_n3A : vector<768x1536xf32> to vector<1x768x1536xf32>
    tpu.vector_store %arg13[%swap3A, %swap3A_16, %swap3A_17], %swap3A_20 {strides = array<i32>} : memref<1x768x1536xf32, #tpu.memory_space<vmem>>, vector<1x768x1536xf32>,
    %mul3A_21 = arith.constant 768 : i32
    %mul3A_22 = arith.muli %arg1, %mul3A_21 : i32
    %get3A_23 = arith.constant 0 : index
    %get3A_24 = arith.constant 0 : index
    %get3A_25 = arith.index_cast %mul3A_22 : i32 to index
    %get3A_26 = vector.load %arg13[%get3A_23, %get3A_24, %get3A_25] : memref<1x768x1536xf32, #tpu.memory_space<vmem>>, vector<1x768x768xf32>
    %get3A_27 = vector.shape_cast %get3A_26 : vector<1x768x768xf32> to vector<768x768xf32>
    %get3A_28 = arith.constant 0 : index
    %get3A_29 = arith.constant 0 : index
    %get3A_30 = vector.load %arg14[%get3A_28, %get3A_29] : memref<768x768xf32, #tpu.memory_space<vmem>>, vector<768x768xf32>
    %mul3A_31 = arith.mulf %get3A_27, %get3A_30 : vector<768x768xf32>
    %mul3A_32 = arith.constant 768 : i32
    %mul3A_33 = arith.muli %arg1, %mul3A_32 : i32
    %swap3A_34 = arith.constant 0 : index
    %swap3A_35 = arith.constant 0 : index
    %swap3A_36 = arith.index_cast %mul3A_33 : i32 to index
    %swap3A_37 = vector.load %arg13[%swap3A_34, %swap3A_35, %swap3A_36] : memref<1x768x1536xf32, #tpu.memory_space<vmem>>, vector<1x768x768xf32>
    %swap3A_38 = vector.shape_cast %swap3A_37 : vector<1x768x768xf32> to vector<768x768xf32>
    %swap3A_39 = vector.shape_cast %mul3A_31 : vector<768x768xf32> to vector<1x768x768xf32>
    tpu.vector_store %arg13[%swap3A_34, %swap3A_35, %swap3A_36], %swap3A_39 {strides = array<i32>} : memref<1x768x1536xf32, #tpu.memory_space<vmem>>, vector<1x768x768xf32>,
    return
  }
  func.func @transform_0(%arg0: i32, %arg1: i32) -> (i32, i32) {
    %c0_i32 = arith.constant 0 : i32
    %c0_i32_0 = arith.constant 0 : i32
    %c0_i32_1 = arith.constant 0 : i32
    return %c0_i32, %c0_i32_0 : i32, i32
  }
  func.func @transform_1(%arg0: i32, %arg1: i32) -> (i32, i32) {
    %c0_i32 = arith.constant 0 : i32
    %c0_i32_0 = arith.constant 0 : i32
    %c0_i32_1 = arith.constant 0 : i32
    return %c0_i32, %c0_i32_0 : i32, i32
  }
  func.func @transform_2(%arg0: i32, %arg1: i32) -> (i32, i32) {
    %c0_i32 = arith.constant 0 : i32
    %c0_i32_0 = arith.constant 0 : i32
    %c0_i32_1 = arith.constant 0 : i32
    return %c0_i32, %c0_i32_0 : i32, i32
  }
  func.func @transform_3(%arg0: i32, %arg1: i32) -> (i32, i32) {
    %c0_i32 = arith.constant 0 : i32
    %c0_i32_0 = arith.constant 0 : i32
    %c0_i32_1 = arith.constant 0 : i32
    return %c0_i32, %c0_i32_0 : i32, i32
  }
  func.func @transform_4(%arg0: i32, %arg1: i32) -> (i32, i32) {
    %c0_i32 = arith.constant 0 : i32
    %c0_i32_0 = arith.constant 0 : i32
    %c0_i32_1 = arith.constant 0 : i32
    return %c0_i32, %c0_i32_0 : i32, i32
  }
  func.func @transform_5(%arg0: i32, %arg1: i32) -> (i32, i32) {
    %c0_i32 = arith.constant 0 : i32
    %c0_i32_0 = arith.constant 0 : i32
    %c0_i32_1 = arith.constant 0 : i32
    return %c0_i32, %c0_i32_0 : i32, i32
  }
  func.func @transform_6(%arg0: i32, %arg1: i32) -> (i32, i32) {
    %c0_i32 = arith.constant 0 : i32
    %c0_i32_0 = arith.constant 0 : i32
    %c0_i32_1 = arith.constant 0 : i32
    return %c0_i32, %c0_i32_0 : i32, i32
  }
  func.func @transform_7(%arg0: i32, %arg1: i32) -> (i32, i32) {
    %c0_i32 = arith.constant 0 : i32
    %c0_i32_0 = arith.constant 0 : i32
    %c0_i32_1 = arith.constant 0 : i32
    return %c0_i32, %c0_i32_0 : i32, i32
  }
  func.func @transform_8(%arg0: i32, %arg1: i32) -> (i32, i32) {
    %c0_i32 = arith.constant 0 : i32
    %c0_i32_0 = arith.constant 0 : i32
    %c0_i32_1 = arith.constant 0 : i32
    return %c0_i32, %c0_i32_0 : i32, i32
  }
  func.func @transform_9(%arg0: i32, %arg1: i32) -> (i32, i32) {
    %c0_i32 = arith.constant 0 : i32
    %c0_i32_0 = arith.constant 0 : i32
    %c0_i32_1 = arith.constant 0 : i32
    return %c0_i32, %c0_i32_0 : i32, i32
  }
  func.func @transform_10(%arg0: i32, %arg1: i32) -> (i32, i32) {
    %c0_i32 = arith.constant 0 : i32
    %c0_i32_0 = arith.constant 0 : i32
    %c0_i32_1 = arith.constant 0 : i32
    return %c0_i32, %c0_i32_0 : i32, i32
  }
  func.func @transform_11(%arg0: i32, %arg1: i32) -> (i32, i32, i32) {
    %c0_i32 = arith.constant 0 : i32
    %c0_i32_0 = arith.constant 0 : i32
    return %arg0, %arg1, %c0_i32 : i32, i32, i32
  }
}

</mosaic_0001>

<sc_bundles>
// kernel: kernel.4.cloned.1.call-start
scs
__scs_entry_jumppad:
0x0: {  	(pc) =	sbr.rel $0x88, $3  }
0x1: {  	(tag) =	ssettag $0x0;
	lr =	simm.s32 $0x1  }
0x2: {  	[smem:$0x3F9F] =	sst lr;
	_ =	strace $0xD0000000  }
0x3: {  	_ = 	snop  }
0x4: {  	_ = 	snop  }
0x5: {  	_ = 	snop  }
0x6: {  	_ = 	snop  }
0x7: {  	_ = 	snop  }
__scs_overlays_trampoline_lowered:
0x8: {  	[smem:$0x3FAE] =	sst s0  }
0x9: {  	[smem:$0x3FAF] =	sst s1  }
0xa: {  	[smem:$0x3FB0] =	sst s2  }
0xb: {  	[smem:$0x3FB1] =	sst s3  }
0xc: {  	[smem:$0x3FB2] =	sst s4  }
0xd: {  	[smem:$0x3FB3] =	sst s5  }
0xe: {  	[smem:$0x3FB4] =	sst s6  }
0xf: {  	[smem:$0x3FB5] =	sst s7  }
0x10: {  	[smem:$0x3FB6] =	sst s8  }
0x11: {  	[smem:$0x3FB7] =	sst s9;
	s0 =	simm.s32 @!p0 $0x0  }
0x12: {  	s1 =	sld [smem:$0x3F9D];
	s0 =	simm.s32 @p0 $0x1  }
0x13: {  	[smem:$0x3FB8] =	sst s0;
	s0 =	simm.s32 @!p1 $0x0  }
0x14: {  	s2 =	sld [smem:$0x3F9C];
	s0 =	simm.s32 @p1 $0x1  }
0x15: {  	[smem:$0x3FB9] =	sst s0;
	s0 =	simm.s32 @!p2 $0x0  }
0x16: {  	s3 =	sld [smem:$0x3FDB];
	s0 =	simm.s32 @p2 $0x1  }
0x17: {  	s4 =	simm.s32 $0x1BF5;
	[smem:$0x3FBB] =	sst s0  }
0x18: {  	s0 =	sld [smem:$0x3F9E];
	_ =	swait.ge [sflag:s4], $0x0  }
0x19: {  	s7 =	sld [smem:$0x3F9F]  }
0x1a: {  	s8 =	sadd.s32 $0xFFFFE003, lr  }
0x1b: {  	s9 =	sadd.s32 $0xFFFFFEF7, lr;
	s5 =	simm.s32 $0xFFFFFFFF;
	p2 =	slt.u32 s8, $0xFFFFF086  }
0x1c: {  	p1 =	slt.u32 s9, $0xF7A;
	s5 =	simm.s32 @!p2 $0x0  }
0x1d: {  	s5 =	simm.s32 @p1 $0x1;
	p0 =	seq.s32 s7, s2  }
0x1e: {  	s7 =	smul.u32 @!p0 $0xF7A, s2;
	p2 =	seq.s32 @!p0 s5, $0x0  }
0x1f: {  	s9 =	smul.u32 $0xF7A, s1;
	s8 =	simm.s32 @!p0 $0x1BF5;
	p2 =	por !p2, p0  }
0x20: {  	[sflag:s8] =	ssyncset.s32 @!p0 $0xFFFFF086;
	s6 =	sadd.s32 @!p0 s3, s7;
	s7 =	simm.s32 @!p0 $0x108  }
0x21: {  	s3 =	sadd.s32 s3, s9;
	s6 =	sadd.s32 @!p0 $0x88, s6;
	s7 =	simm.s32 @p2 $0x1082  }
0x22: {  	[simem:s7], [sflag:s8] =	dma.local @!p0 [hbm:s6], $0xF7A  }
0x23: {  	s9 =	sor.u32 $0xD0000000, s2;
	s6 =	simm.s32 $0x108;
	_ =	swait.ge @!p0 [sflag:s8], $0x0  }
0x24: {  	s3 =	sadd.s32 $0x88, s3;
	s6 =	simm.s32 @!p1 $0x1082;
	[sflag:s4] =	ssyncset.s32 $0xFFFFF086  }
0x25: {  	[simem:s6], [sflag:s4] =	dma.local [hbm:s3], $0xF7A  }
0x26: {  	[smem:$0x3F9F] =	sst s1;
	(tag) =	ssettag s2;
	_ =	strace s9  }
0x27: {  	s1 =	sld [smem:$0x3FAF]  }
0x28: {  	s2 =	sld [smem:$0x3FB0]  }
0x29: {  	s4 =	sld [smem:$0x3FB2]  }
0x2a: {  	p0 =	seq.s32 s5, $0x0;
	s5 =	sld [smem:$0x3FB3]  }
0x2b: {  	s6 =	sld [smem:$0x3FB4]  }
0x2c: {  	s7 =	sld [smem:$0x3FB5]  }
0x2d: {  	s3 =	simm.s32 $0x108;
	s8 =	sld [smem:$0x3FB6]  }
0x2e: {  	s3 =	simm.s32 @!p0 $0x1082;
	s9 =	sld [smem:$0x3FB7]  }
0x2f: {  	lr =	sadd.s32 s0, s3;
	s0 =	sld [smem:$0x3FAE]  }
0x30: {  	s3 =	sld [smem:$0x3FB1]  }
0x31: {  	[smem:$0x3FBA] =	sst s10  }
0x32: {  	s10 =	sld [smem:$0x3FB8];
	_ =	sdelay $0x3  }
0x33: {  	p0 =	seq.s32 s10, $0x1;
	s10 =	sld [smem:$0x3FBA];
	_ =	sdelay $0x3  }
0x34: {  	[smem:$0x3FBA] =	sst s10  }
0x35: {  	s10 =	sld [smem:$0x3FB9];
	_ =	sdelay $0x3  }
0x36: {  	p1 =	seq.s32 s10, $0x1;
	s10 =	sld [smem:$0x3FBA];
	_ =	sdelay $0x3  }
0x37: {  	[smem:$0x3FBA] =	sst s10  }
0x38: {  	s10 =	sld [smem:$0x3FBB]  }
0x39: {  	_ = 	snop;
	(pc) =	sbr.ind lr, $3  }
0x3a: {  	_ = 	snop  }
0x3b: {  	_ = 	snop  }
0x3c: {  	p2 =	seq.s32 s10, $0x1;
	s10 =	sld [smem:$0x3FBA]  }
0x3d: {  	_ =	shalt  }
0x3e: {  	_ =	shalt  }
0x3f: {  	_ =	shalt  }
0x40: {  	_ =	shalt  }
0x41: {  	_ =	shalt  }
0x42: {  	_ =	shalt  }
0x43: {  	_ =	shalt  }
0x44: {  	_ =	shalt  }
0x45: {  	_ =	shalt  }
0x46: {  	_ =	shalt  }
0x47: {  	_ =	shalt  }
0x48: {  	_ =	shalt  }
0x49: {  	_ =	shalt  }
0x4a: {  	_ =	shalt  }
0x4b: {  	_ =	shalt  }
0x4c: {  	_ =	shalt  }
0x4d: {  	_ =	shalt  }
0x4e: {  	_ =	shalt  }
0x4f: {  	_ =	shalt  }
0x50: {  	_ =	shalt  }
0x51: {  	_ =	shalt  }
0x52: {  	_ =	shalt  }
0x53: {  	_ =	shalt  }
0x54: {  	_ =	shalt  }
0x55: {  	_ =	shalt  }
0x56: {  	_ =	shalt  }
0x57: {  	_ =	shalt  }
0x58: {  	_ =	shalt  }
0x59: {  	_ =	shalt  }
0x5a: {  	_ =	shalt  }
0x5b: {  	_ =	shalt  }
0x5c: {  	_ =	shalt  }
0x5d: {  	_ =	shalt  }
0x5e: {  	_ =	shalt  }
0x5f: {  	_ =	shalt  }
0x60: {  	_ =	shalt  }
0x61: {  	_ =	shalt  }
0x62: {  	_ =	shalt  }
0x63: {  	_ =	shalt  }
0x64: {  	_ =	shalt  }
0x65: {  	_ =	shalt  }
0x66: {  	_ =	shalt  }
0x67: {  	_ =	shalt  }
0x68: {  	_ =	shalt  }
0x69: {  	_ =	shalt  }
0x6a: {  	_ =	shalt  }
0x6b: {  	_ =	shalt  }
0x6c: {  	_ =	shalt  }
0x6d: {  	_ =	shalt  }
0x6e: {  	_ =	shalt  }
0x6f: {  	_ =	shalt  }
0x70: {  	_ =	shalt  }
0x71: {  	_ =	shalt  }
0x72: {  	_ =	shalt  }
0x73: {  	_ =	shalt  }
0x74: {  	_ =	shalt  }
0x75: {  	_ =	shalt  }
0x76: {  	_ =	shalt  }
0x77: {  	_ =	shalt  }
0x78: {  	_ =	shalt  }
0x79: {  	_ =	shalt  }
0x7a: {  	_ =	shalt  }
0x7b: {  	_ =	shalt  }
0x7c: {  	_ =	shalt  }
0x7d: {  	_ =	shalt  }
0x7e: {  	_ =	shalt  }
0x7f: {  	_ =	shalt  }
0x80: {  	_ =	shalt  }
0x81: {  	_ =	shalt  }
0x82: {  	_ =	shalt  }
0x83: {  	_ =	shalt  }
0x84: {  	_ =	shalt  }
0x85: {  	_ =	shalt  }
0x86: {  	_ =	shalt  }
0x87: {  	_ =	shalt  }
.Lfunc_end0:
.L_simem_size_0:
called_computation_lowered:
.L_overlay_start_0:
0x88: {  	s2 =	sld [smem:$0x3FD9]  }
0x89: {  	s3 =	sld [smem:$0x3FFE];
	_ =	sdelay $0x1  }
0x8a: {  	s1 =	srdreg.scid  }
0x8b: {  	s0 =	sand.u32 $0x1, s1  }
0x8c: {  	s15 =	sshll.u32 s0, $0xA;
	s2 =	sadd.s32 s3, s2  }
0x8d: {  	s2 =	sadd.s32 s2, s15  }
0x8e: {  	[smem:$0x3FC6] =	sst s2  }
0x8f: {  	_ = 	snop  }
0x90: {  	s2 =	sld [smem:$0x3FD0];
	_ =	sdelay $0x2  }
0x91: {  	s4 =	simm.s32 $0xA;
	s5 =	simm.s32 $0x10;
	s16 =	sld [smem:$0x3FC9]  }
0x92: {  	[smem:s5], [sflag:s4] =	dma.local [hbm:s2], $0x1  }
0x93: {  	_ =	swait.eq [sflag:s4], $0x1  }
0x94: {  	[sflag:s4] =	ssyncset.done $0x0  }
0x95: {  	s17 =	sld [smem:$0x12];
	[sflag:s4] =	ssyncadd.s32 $0xFFFFFFFF  }
0x96: {  	s18 =	sld [smem:$0x13];
	(tm) =	ssettm $0x1  }
0x97: {  	s19 =	sld [smem:$0x3FFB];
	_ =	sdelay $0x3  }
0x98: {  	_ =	strace s19  }
0x99: {  	s5 =	sld [smem:$0x3FFC];
	_ =	sdelay $0x3  }
0x9a: {  	_ =	strace s5  }
0x9b: {  	s5 =	sld [smem:$0x3FFD];
	_ =	sdelay $0x3  }
0x9c: {  	_ =	strace s5  }
0x9d: {  	_ =	strace $0x8FFFFFFF  }
0x9e: {  	s20 =	sld [smem:$0x3FDB];
	_ =	sdelay $0x1  }
0x9f: {  	s6 =	simm.s32 $_scs_section_size  }
0xa0: {  	s7 =	simm.s32 $_size__tile_overlayer_lowered;
	s8 =	simm.s32 $_tile_overlayer_lowered  }
0xa1: {  	s23 =	simm.s32 $0x1BFF;
	s22 =	sshll.u32 s8, $0x1;
	s5 =	sadd.s32 s6, s20  }
0xa2: {  	s9 =	simm.s32 $0x0;
	s21 =	sshll.u32 s7, $0x1;
	s7 =	sadd.s32 s22, s5  }
0xa3: {  	[timem:s9], [sflag:s23] =	dma.local [hbm:s7], s21  }
0xa4: {  	_ =	swait.ge [sflag:s23], s21  }
0xa5: {  	s6 =	ssub.s32 $0x0, s21;
	[sflag:s23] =	ssyncset.done $0x0  }
0xa6: {  	[sflag:s23] =	ssyncadd.s32 s6;
	_ =	sdelay $0x1  }
0xa7: {  	s24 =	simm.s32 $0x1B8B  }
0xa8: {  	_ =	swait.ge [sflag:s24], $0x1  }
0xa9: {  	[sflag:s24] =	ssyncset.done $0x0  }
0xaa: {  	s25 =	simm.s32 $0x1B8E;
	[sflag:s24] =	ssyncadd.s32 $0xFFFFFFFF  }
0xab: {  	s26 =	simm.s32 $execute0_lowered;
	[smem:$0x3FD2] =	sst s25  }
0xac: {  	s6 =	sshll.u32 s26, $0x1;
	_ =	strace $0x80000046;
	[dreg:$0x1] =	wrdreg $0xFFFFFFFF  }
0xad: {  	s28 =	simm.s32 $_size_execute0_lowered;
	s5 =	sadd.s32 s5, s6;
	[dreg:$0x0] =	wrdreg $0x0  }
0xae: {  	s6 =	sshll.u32 s28, $0x1;
	[dreg:$0x2] =	wrdreg s5  }
0xaf: {  	[dreg:$0x3] =	wrdreg s6  }
0xb0: {  	[dreg:$0x4] =	wrdreg $0xC0  }
0xb1: {  	_ =	task [dreg:s9], $0x5FFFF  }
0xb2: {  	[dreg:$0x1] =	wrdreg $0xFFFFFFFF  }
0xb3: {  	[dreg:$0x0] =	wrdreg $0x60  }
0xb4: {  	[dreg:$0x2] =	wrdreg s16  }
0xb5: {  	[dreg:$0x3] =	wrdreg s18  }
0xb6: {  	[dreg:$0x4] =	wrdreg s17  }
0xb7: {  	[dreg:$0x5] =	wrdreg $0x9  }
0xb8: {  	_ =	task.clear_ibuf [dreg:s9], $0x6FFFF;
	_ =	strace $0x90000046  }
0xb9: {  	s29 =	simm.s32 $0x9;
	_ =	strace $0x80000048  }
0xba: {  	_ =	swait.ge [sflag:s29], $0x1  }
0xbb: {  	[sflag:s29] =	ssyncadd.s32 $0xFFFFFFFF  }
0xbc: {  	_ =	strace $0x90000048  }
0xbd: {  	_ =	sfence  }
0xbe: {  	s30 =	sld [smem:$0x0];
	_ =	sdelay $0x2  }
0xbf: {  	s31 =	sshll.u32 s1, $0xD;
	s1 =	sshrl.u32 s1, $0x2  }
0xc0: {  	s3 =	sand.u32 $0x4000, s31;
	s1 =	sadd.s32 s1, s30  }
0xc1: {  	s0 =	sor.u32 s3, s0;
	s1 =	sshll.u32 s1, $0x11  }
0xc2: {  	s0 =	sor.u32 s1, s0  }
0xc3: {  	s0 =	sadd.s32 $0x8F2B, s0  }
0xc4: {  	[sflag:s0] =	ssyncadd.remote.s32 $0x1  }
0xc5: {  	_ =	sfence.sel $0xFFFF  }
0xc6: {  	[dreg:$0x0] =	wrdreg $0xFFFFFFFF;
	(pc) =	sbr.abs _section_cstart, $3  }
0xc7: {  	[dreg:$0x1] =	wrdreg $0xFFFFFFFF  }
0xc8: {  	_ =	task.clear_ibuf [dreg:s9], $0x2FFFF;
	_ =	strace $0x9FFFFFFF  }
0xc9: {  	(tm) =	ssettm $0x7FFFFFFF  }
tec
execute0_lowered:
.L_overlay_start_1:
0x0: {  	(tag) =	ssettag $0x1  }
0x1: {  	s0 =	stileid.u32  }
0x2: {  	s1 =	srdreg.scid;
	s2 =	sshll.u32 s0, $0x1  }
0x3: {  	s4 =	rddreg [dreg:$0x1];
	s8 =	sand.u32 $0x1, s1;
	s29 =	sand.u32 $0x2, s2  }
0x4: {  	s10 =	rddreg [dreg:$0x2];
	s1 =	sor.u32 s8, s29  }
0x5: {  	s3 =	simm.s32 $0x0;
	s30 =	sshll.u32 s0, $0x6;
	s5 =	smul.u32 $0xC00, s1  }
0x6: {  	s7 =	simm.s32 $0x400;
	[smem:$0x7FF] =	sst s3;
	s6 =	sand.u32 $0x380, s30  }
0x7: {  	s2 =	rddreg [dreg:$0x0];
	s12 =	ssub.s32 $0x2, s8;
	s5 =	sor.u32 s6, s5  }
0x8: {  	s1 =	rddreg [dreg:$0x3];
	_ =	strace $0x80000047;
	s11 =	sshrl.u32 s5, $0x3  }
0x9: {  	s6 =	simm.s32 $0x2;
	s5 =	simm.s32 $0x80;
	s4 =	sadd.s32 s4, s11  }
0xa: {  	[tilespmem:s3], [sflag:$0x2] =	stream.strided.gather [hbm4b:s4+s5], $0x180, s7, s5, $0x38;
	[tilespmem:$0x300] =	vst v63  }
0xb: {  	s13 =	sshrl.u32 s12, $0x1;
	_ =	swait.ge [sflag:s6], $0x180  }
0xc: {  	s9 =	simm.s32 $0x1;
	s12 =	ssub.s32 s12, s13;
	[sflag:s6] =	ssyncset.done $0x0  }
0xd: {  	s8 =	simm.s32 $0x180;
	s31 =	smax.u32 s12, $0x1;
	[sflag:s6] =	ssyncadd.s32 $0xFFFFFE80  }
0xe: {  	[tilespmem:s8], [sflag:$0x1] =	stream.indirect.gather [hbm4b:s2+s8], $0x1, s3, s8, $0xb8;
	[tilespmem:$0x300] =	vst v63  }
0xf: {  	p0 =	sne.s32 s31, $0x1;
	_ =	swait.ge [sflag:s9], $0x180  }
.Ltmp0:
0x10: {  	[sflag:s9] =	ssyncset.done $0x0;
	(pc) =	sbr.rel @!p0 .LBB2_2-.Ltmp0, $4  }
0x11: {  	s10 =	sadd.s32 s10, s11;
	[sflag:s9] =	ssyncadd.s32 $0xFFFFFE80  }
0x12: {  	[hbm4b:s10+s5] =	stream.strided.scatter [tilespmem:s8], [sflag:$0x2], $0x180, s7, s5, $0x38;
	[tilespmem:$0x300] =	vst v63  }
0x13: {  	_ =	swait.ge [sflag:s6], $0x180  }
0x14: {  	s11 =	sadd.s32 $0xFFFFFFFF, s31;
	[sflag:s6] =	ssyncset.done $0x0  }
.LBB2_1:
0x15: {  	p0 =	sne.s32 s11, $0x1;
	s11 =	sadd.s32 $0xFFFFFFFF, s11;
	[sflag:s6] =	ssyncadd.s32 $0xFFFFFE80  }
0x16: {  	[tilespmem:s3], [sflag:$0x2] =	stream.strided.gather [hbm4b:s4+s5], $0x180, s7, s5, $0x38;
	[tilespmem:$0x300] =	vst v63  }
0x17: {  	_ =	swait.ge [sflag:s6], $0x180  }
0x18: {  	[sflag:s6] =	ssyncset.done $0x0  }
0x19: {  	[sflag:s6] =	ssyncadd.s32 $0xFFFFFE80  }
0x1a: {  	[tilespmem:s8], [sflag:$0x1] =	stream.indirect.gather [hbm4b:s2+s8], $0x1, s3, s8, $0xb8;
	[tilespmem:$0x300] =	vst v63  }
0x1b: {  	_ =	swait.ge [sflag:s9], $0x180  }
.Ltmp1:
0x1c: {  	[sflag:s9] =	ssyncset.done $0x0;
	(pc) =	sbr.rel @p0 .LBB2_1-.Ltmp1, $4  }
0x1d: {  	[sflag:s9] =	ssyncadd.s32 $0xFFFFFE80  }
0x1e: {  	[hbm4b:s10+s5] =	stream.strided.scatter [tilespmem:s8], [sflag:$0x2], $0x180, s7, s5, $0x38;
	[tilespmem:$0x300] =	vst v63  }
0x1f: {  	_ =	swait.ge [sflag:s6], $0x180  }
0x20: {  	[sflag:s6] =	ssyncset.done $0x0  }
.LBB2_2:
0x21: {  	[sflag:s6] =	ssyncadd.s32 $0xFFFFFE80  }
0x22: {  	_ =	sfence.sel $0x180000  }
0x23: {  	[bflag:$0x0] =	sbarrier.arrive $0xFFFF  }
0x24: {  	p0 =	sne.s32 s0, $0x0;
	_ =	strace $0x90000047  }
0x25: {  	s0 =	sadd.s32 @!p0 $0x100000, s1;
	[bflag:$0x2] =	sbarrier.arrive $0xFFFF  }
0x26: {  	[sflag:s0] =	ssyncadd.tile.s32 @!p0 $0x1;
	_ =	shalt  }
.Lfunc_end2:
_tile_overlayer_lowered:
.L_overlay_start_2:
0x27: {  	(tag) =	ssettag $0x2  }
0x28: {  	s0 =	rddreg [dreg:$0x0];
	s2 =	stileid.u32  }
0x29: {  	s1 =	rddreg [dreg:$0x1];
	p0 =	sne.s32 s2, $0x0  }
0x2a: {  	s3 =	rddreg [dreg:$0x2];
	[bflag:$0x3] =	sbarrier.arrive $0xFFFF;
	s2 =	simm.s32 @!p0 $0x1C02  }
0x2b: {  	[timem:s3], [sflag:s2] =	dma.local @!p0 [hbm:s0], s1  }
0x2c: {  	s0 =	simm.s32 @!p0 $0x2  }
0x2d: {  	_ =	swait.ge @!p0 [sflag:s0], s1  }
0x2e: {  	s1 =	ssub.s32 @!p0 $0x0, s1;
	[sflag:s0] =	ssyncset.done @!p0 $0x0  }
0x2f: {  	[sflag:s0] =	ssyncadd.s32 @!p0 s1  }
0x30: {  	[bflag:$0x3] =	sbarrier.arrive $0xFFFF  }
0x31: {  	_ =	shalt  }

</sc_bundles>
